<compile_context>
chip_gen: v7x
topology: tpu7x:2x2x1
jax: 0.10.2.dev20260603
libtpu: 0.0.44.dev20260713+nightly
codegen_flags: <defaults>
</compile_context>

<pallas_src>
import functools

import jax
import jax.numpy as jnp
from jax import lax
from jax.experimental import pallas as pl
from jax.experimental.pallas import tpu as pltpu
from jax.experimental.pallas import tpu_sc as plsc

B, S, D = 2, 2048, 768
E, F = 16, 1024
N = B * S

SB = 256
NSB = S // SB
G = B * NSB
TB = 320
NB = N // TB + E
NP = NB * TB

_NC, _NS = 2, 16
NW = _NC * _NS
TPW = N // NW



def _mixer_body(x_ref, wf_ref, bf_ref, wv_ref, bv_ref, wo_ref, bo_ref,
                wg_ref, bg_ref, y_ref, pos_ref, m2_ref,
                carry, sel_s, lr_s, pc_s):
    g = pl.program_id(0)

    @pl.when(g < G)
    def _mix():
        x = x_ref[0]
        f = jax.nn.sigmoid(
            jnp.dot(x, wf_ref[...], preferred_element_type=jnp.float32)
            + bf_ref[...])
        v = (jnp.dot(x, wv_ref[...], preferred_element_type=jnp.float32)
             + bv_ref[...])
        CL = 16
        NC3 = SB // CL
        a3 = f.reshape(NC3, CL, D)
        b3 = ((1.0 - f) * v).reshape(NC3, CL, D)
        k = 1
        while k < CL:
            a_sh = jnp.concatenate(
                [jnp.ones((NC3, k, D), jnp.float32), a3[:, :-k, :]], axis=1)
            b_sh = jnp.concatenate(
                [jnp.zeros((NC3, k, D), jnp.float32), b3[:, :-k, :]], axis=1)
            b3 = b_sh * a3 + b3
            a3 = a_sh * a3
            k *= 2
        ac = a3[:, CL - 1, :]
        bc = b3[:, CL - 1, :]
        k = 1
        while k < NC3:
            acs = jnp.concatenate(
                [jnp.ones((k, D), jnp.float32), ac[:-k]], axis=0)
            bcs = jnp.concatenate(
                [jnp.zeros((k, D), jnp.float32), bc[:-k]], axis=0)
            bc = bcs * ac + bc
            ac = acs * ac
            k *= 2

        @pl.when(g % NSB == 0)
        def _():
            carry[...] = jnp.zeros_like(carry)

        bc_ex = jnp.concatenate(
            [jnp.zeros((1, D), jnp.float32), bc[:-1]], axis=0)
        ac_ex = jnp.concatenate(
            [jnp.ones((1, D), jnp.float32), ac[:-1]], axis=0)
        hrow = bc_ex + ac_ex * carry[...]
        h = (b3 + a3 * hrow[:, None, :]).reshape(SB, D)
        carry[...] = h[SB - 1:SB, :]
        y = (x + jnp.dot(h, wo_ref[...], preferred_element_type=jnp.float32)
             + bo_ref[...])
        y_ref[0] = y

        logits = (jnp.dot(y, wg_ref[...], preferred_element_type=jnp.float32)
                  + bg_ref[...])
        m = jnp.max(logits, axis=1, keepdims=True)
        eidx = lax.broadcasted_iota(jnp.int32, (SB, E), 1)
        sel = jnp.min(jnp.where(logits == m, eidx, E), axis=1, keepdims=True)

        oh = (sel == eidx).astype(jnp.float32)
        ti = lax.broadcasted_iota(jnp.int32, (SB, SB), 0)
        tj = lax.broadcasted_iota(jnp.int32, (SB, SB), 1)
        trist = (tj < ti).astype(jnp.float32)
        cum = jnp.dot(trist, oh, preferred_element_type=jnp.float32)
        lrank = jnp.sum(oh * cum, axis=1, keepdims=True)
        base = pl.multiple_of(g * SB, SB)
        sel_s[pl.ds(base, SB)] = sel
        lr_s[pl.ds(base, SB)] = lrank
        pc_s[pl.ds(g, 1), :] = jnp.sum(oh, axis=0, keepdims=True)

    @pl.when(g == G)
    def _meta():
        pc = pc_s[...]
        counts = jnp.sum(pc, axis=0, keepdims=True)
        padded = jnp.ceil(counts * (1.0 / TB)) * TB
        i16 = lax.broadcasted_iota(jnp.int32, (E, E), 0)
        j16 = lax.broadcasted_iota(jnp.int32, (E, E), 1)
        excl = (i16 < j16).astype(jnp.float32)
        starts = jnp.dot(padded, excl, preferred_element_type=jnp.float32)
        gi = lax.broadcasted_iota(jnp.int32, (G, G), 0)
        gj = lax.broadcasted_iota(jnp.int32, (G, G), 1)
        gtri = (gj < gi).astype(jnp.float32)
        offs = (jnp.dot(gtri, pc, preferred_element_type=jnp.float32)
                + starts)
        erow = lax.broadcasted_iota(jnp.int32, (SB, E), 1)
        for gg in range(G):
            sc = sel_s[gg * SB:(gg + 1) * SB]
            ohg = (sc == erow).astype(jnp.float32)
            pos_g = (jnp.sum(ohg * offs[gg:gg + 1, :], axis=1, keepdims=True)
                     + lr_s[gg * SB:(gg + 1) * SB])
            pos_ref[gg * SB:(gg + 1) * SB] = pos_g.astype(jnp.int32)
        endb = (starts + padded) * (1.0 / TB)
        icol = lax.broadcasted_iota(jnp.int32, (128, E), 0).astype(jnp.float32)
        b2e = jnp.sum((icol >= endb).astype(jnp.float32), axis=1,
                      keepdims=True)
        b2e = jnp.minimum(b2e, float(E - 1))
        total = jnp.sum(padded) * (1.0 / TB)
        m2_ref[...] = jnp.concatenate(
            [b2e, jnp.full((128, 1), total, jnp.float32)], axis=0)


def _mixer_call(x, Wf, bf, Wv, bv, Wo, bo, Wg, bg):
    full = lambda shape: pl.BlockSpec(shape, lambda g: (0,) * len(shape))

    def xmap(g):
        gc = jnp.minimum(g, G - 1)
        return (gc // NSB, gc % NSB, 0)

    return pl.pallas_call(
        _mixer_body,
        grid=(G + 1,),
        in_specs=[
            pl.BlockSpec((1, SB, D), xmap),
            full((D, D)), full((1, D)),
            full((D, D)), full((1, D)),
            full((D, D)), full((1, D)),
            full((D, E)), full((1, E)),
        ],
        out_specs=[
            pl.BlockSpec((1, SB, D), xmap),
            pl.BlockSpec((N, 1), lambda g: (0, 0)),
            pl.BlockSpec((256, 1), lambda g: (0, 0)),
        ],
        out_shape=[
            jax.ShapeDtypeStruct((B, S, D), jnp.float32),
            jax.ShapeDtypeStruct((N, 1), jnp.int32),
            jax.ShapeDtypeStruct((256, 1), jnp.float32),
        ],
        scratch_shapes=[pltpu.VMEM((1, D), jnp.float32),
                        pltpu.VMEM((N, 1), jnp.int32),
                        pltpu.VMEM((N, 1), jnp.float32),
                        pltpu.VMEM((G, E), jnp.float32)],
    )(x, Wf, bf.reshape(1, D), Wv, bv.reshape(1, D),
      Wo, bo.reshape(1, D), Wg, bg.reshape(1, E))



@functools.lru_cache(maxsize=None)
def _sc_kernels():
    mesh = plsc.VectorSubcoreMesh(core_axis_name="c", subcore_axis_name="s",
                                  num_cores=_NC, num_subcores=_NS)

    @functools.partial(
        pl.kernel, mesh=mesh,
        out_type=jax.ShapeDtypeStruct((NP, D), jnp.float32),
        scratch_types=[pltpu.VMEM((TPW,), jnp.int32),
                       pltpu.VMEM((TPW, D), jnp.float32),
                       pltpu.SemaphoreType.DMA],
    )
    def _scatter(y_hbm, pos_hbm, out_hbm, idx_v, rows_v, sem):
        wid = lax.axis_index("s") * _NC + lax.axis_index("c")
        base = wid * TPW
        pltpu.sync_copy(pos_hbm.at[pl.ds(base, TPW)], idx_v)
        pltpu.sync_copy(y_hbm.at[pl.ds(base, TPW)], rows_v)
        pltpu.async_copy(rows_v, out_hbm.at[idx_v], sem).wait()

    @functools.partial(
        pl.kernel, mesh=mesh,
        out_type=jax.ShapeDtypeStruct((N, D), jnp.float32),
        scratch_types=[pltpu.VMEM((TPW,), jnp.int32),
                       pltpu.VMEM((TPW, D), jnp.float32),
                       pltpu.SemaphoreType.DMA],
    )
    def _gather(src_hbm, pos_hbm, out_hbm, idx_v, rows_v, sem):
        wid = lax.axis_index("s") * _NC + lax.axis_index("c")
        base = wid * TPW
        pltpu.sync_copy(pos_hbm.at[pl.ds(base, TPW)], idx_v)
        pltpu.async_copy(src_hbm.at[idx_v], rows_v, sem).wait()
        pltpu.sync_copy(rows_v, out_hbm.at[pl.ds(base, TPW)])

    return _scatter, _gather



def _ffn_body(b2e_ref, nb_ref, x_ref, w1_ref, b1_ref, w2_ref, b2_ref, o_ref):
    i = pl.program_id(0)

    @pl.when(i < nb_ref[0])
    def _():
        x = x_ref[...]
        h = jnp.dot(x, w1_ref[0], preferred_element_type=jnp.float32) + b1_ref[0]
        h = jax.nn.gelu(h)
        o_ref[...] = (jnp.dot(h, w2_ref[0], preferred_element_type=jnp.float32)
                      + b2_ref[0])


def _ffn_call(b2e, nbu, xs, W1, b1, W2, b2):
    grid_spec = pltpu.PrefetchScalarGridSpec(
        num_scalar_prefetch=2,
        grid=(NB,),
        in_specs=[
            pl.BlockSpec((TB, D),
                         lambda i, m, n: (jnp.minimum(i, n[0] - 1), 0)),
            pl.BlockSpec((1, D, F), lambda i, m, n: (m[i], 0, 0)),
            pl.BlockSpec((1, 1, F), lambda i, m, n: (m[i], 0, 0)),
            pl.BlockSpec((1, F, D), lambda i, m, n: (m[i], 0, 0)),
            pl.BlockSpec((1, 1, D), lambda i, m, n: (m[i], 0, 0)),
        ],
        out_specs=pl.BlockSpec((TB, D),
                               lambda i, m, n: (jnp.minimum(i, n[0] - 1), 0)),
    )
    return pl.pallas_call(
        _ffn_body,
        grid_spec=grid_spec,
        out_shape=jax.ShapeDtypeStruct((NP, D), jnp.float32),
    )(b2e, nbu, xs, W1, b1.reshape(E, 1, F), W2, b2.reshape(E, 1, D))



def kernel(hidden_states, Wf, bf, Wv, bv, Wo, bo, Wg, bg, W1, b1, W2, b2):
    y, posc, m2 = _mixer_call(hidden_states, Wf, bf, Wv, bv, Wo, bo, Wg, bg)
    pos = posc.reshape(N)
    b2e = m2[:NB, 0].astype(jnp.int32)
    nbu = m2[128:129, 0].astype(jnp.int32)
    sc_scatter, sc_gather = _sc_kernels()
    ysorted = sc_scatter(y.reshape(N, D), pos)
    osorted = _ffn_call(b2e, nbu, ysorted, W1, b1, W2, b2)
    final = sc_gather(osorted, pos)
    return final.reshape(B, S, D)

# --- scband reference (transcript-rebuilt; emitter-appended) ---
"""Pipeline reference for scband-x-lstmmo-elayer-56813827391691 (READ-ONLY COPY).

The authoritative reference and input builder live on the scoring server;
editing this copy changes nothing except your own understanding.
"""

import jax
import jax.numpy as jnp
import numpy as np

B, S, D = 2, 2048, 768
E, TOPK, F = 16, 1, 1024


def _mixer(x, Wf, bf, Wv, bv, Wo, bo):
    # lightweight xLSTM-style gated linear recurrence: h_t = f_t * h_{t-1} + (1-f_t) * v_t
    f = jax.nn.sigmoid(x @ Wf + bf)
    v = x @ Wv + bv
    u = (1.0 - f) * v

    def comb(c1, c2):
        a1, b1 = c1
        a2, b2 = c2
        return (a1 * a2, b1 * a2 + b2)

    _, h = jax.lax.associative_scan(comb, (f, u), axis=1)
    return x + (h @ Wo + bo)


def setup_inputs(seed: int = 0) -> dict:
    key = jax.random.key(seed)
    ks = jax.random.split(key, 8)
    s = 0.02
    return {
        "hidden_states": jax.random.normal(ks[0], (B, S, D), jnp.float32),
        "Wf": jax.random.normal(ks[1], (D, D), jnp.float32) * s,
        "bf": jnp.zeros((D,), jnp.float32),
        "Wv": jax.random.normal(ks[2], (D, D), jnp.float32) * s,
        "bv": jnp.zeros((D,), jnp.float32),
        "Wo": jax.random.normal(ks[3], (D, D), jnp.float32) * s,
        "bo": jnp.zeros((D,), jnp.float32),
        "Wg": jax.random.normal(ks[4], (D, E), jnp.float32) * s,
        "bg": jnp.zeros((E,), jnp.float32),
        "W1": jax.random.normal(ks[5], (E, D, F), jnp.float32) * s,
        "b1": jnp.zeros((E, F), jnp.float32),
        "W2": jax.random.normal(ks[6], (E, F, D), jnp.float32) * s,
        "b2": jnp.zeros((E, D), jnp.float32),
    }


def reference(hidden_states, Wf, bf, Wv, bv, Wo, bo, Wg, bg, W1, b1, W2, b2):
    hs = _mixer(hidden_states, Wf, bf, Wv, bv, Wo, bo)
    bsz, slen, dim = hs.shape
    flat = hs.reshape(-1, dim)
    router_logits = flat @ Wg + bg
    rw = jax.nn.softmax(router_logits, axis=1)
    rw, sel = jax.lax.top_k(rw, TOPK)
    rw = rw / rw.sum(axis=-1, keepdims=True)
    rw = rw.astype(hs.dtype)
    final = jnp.zeros_like(flat)
    # einops 'batch top_k experts -> experts top_k batch'
    expert_mask = jnp.transpose(jax.nn.one_hot(sel, E), (2, 1, 0))
    for e in range(E):
        w = (jnp.transpose(expert_mask[e]) * rw).sum(axis=-1)[:, None].astype(hs.dtype)
        h = jax.nn.gelu(flat @ W1[e] + b1[e])
        out = h @ W2[e] + b2[e]
        final = final + out * w
    return final.reshape(bsz, slen, dim)

if __name__ == "__main__":
    import jax
    _d = setup_inputs()
    print(jax.jit(kernel)(*tuple(_d.values())))

</pallas_src>

<mosaic_0001>
#map = affine_map<(d0, d1) -> (0, 0)>
#map1 = affine_map<(d0, d1) -> (0)>
module attributes {stable_mosaic.version = 14 : i64} {
  func.func @_gather(%arg0: i32, %arg1: i32, %arg2: memref<8960x768xf32, #tpu.memory_space<hbm>>, %arg3: memref<4096xi32, #tpu.memory_space<hbm>>, %arg4: memref<4096x768xf32, #tpu.memory_space<hbm>>, %arg5: memref<128xi32, #tpu.memory_space<vmem>>, %arg6: memref<128x768xf32, #tpu.memory_space<vmem>>, %arg7: memref<!tpu.dma_semaphore, #tpu.memory_space<semaphore_mem>>) attributes {dimension_semantics = [#tpu.dimension_semantics<core_parallel>, #tpu.dimension_semantics<subcore_parallel>], iteration_bounds = array<i64: 2, 16>, scalar_prefetch = 0 : i64, scratch_operands = 3 : i64, tpu.core_type = #tpu.core_type<sc_vector_subcore>, window_params = [{transform_indices = #map}, {transform_indices = #map1}, {transform_indices = #map}]} {
    %mul3A = arith.constant 2 : i32
    %mul3A_0 = arith.muli %arg1, %mul3A : i32
    %add3A = arith.addi %mul3A_0, %arg0 : i32
    %mul3A_1 = arith.constant 128 : i32
    %mul3A_2 = arith.muli %add3A, %mul3A_1 : i32
    "tpu.region"() ({
      %run_scoped3A = tpu.sem_alloc : memref<!tpu.dma_semaphore, #tpu.memory_space<semaphore_mem>>
      %dma_start3A_7 = tpu.memref_slice %arg3[%mul3A_2] : memref<4096xi32, #tpu.memory_space<hbm>> -> memref<128xi32, #tpu.memory_space<hbm>>
      %dma_start3A_8 = tpu.memref_slice %arg3[%mul3A_2] : memref<4096xi32, #tpu.memory_space<hbm>> -> memref<128xi32, #tpu.memory_space<hbm>>
      tpu.enqueue_dma source(%dma_start3A_8 : memref<128xi32, #tpu.memory_space<hbm>>) target(%arg5 : memref<128xi32, #tpu.memory_space<vmem>>) target_semaphore(%run_scoped3A : memref<!tpu.dma_semaphore, #tpu.memory_space<semaphore_mem>>)
      %dma_wait3A_9 = tpu.memref_slice %arg3[%mul3A_2] : memref<4096xi32, #tpu.memory_space<hbm>> -> memref<128xi32, #tpu.memory_space<hbm>>
      %dma_wait3A_10 = tpu.memref_slice %arg3[%mul3A_2] : memref<4096xi32, #tpu.memory_space<hbm>> -> memref<128xi32, #tpu.memory_space<hbm>>
      tpu.wait_dma2 semaphore(%run_scoped3A : memref<!tpu.dma_semaphore, #tpu.memory_space<semaphore_mem>>) src(%dma_wait3A_10 : memref<128xi32, #tpu.memory_space<hbm>>) dst(%arg5 : memref<128xi32, #tpu.memory_space<vmem>>)
      tpu.yield
    }) : () -> ()
    %dma_start3A = arith.constant 0 : i32
    %dma_start3A_3 = arith.constant 0 : i32
    %dma_start3A_4 = tpu.memref_slice %arg2[%dma_start3A, %dma_start3A_3] : memref<8960x768xf32, #tpu.memory_space<hbm>> -> memref<8960x768xf32, #tpu.memory_space<hbm>>
    tpu.enqueue_indirect_dma source(%dma_start3A_4 : memref<8960x768xf32, #tpu.memory_space<hbm>>) target(%arg6 : memref<128x768xf32, #tpu.memory_space<vmem>>) offsets(%arg5 : memref<128xi32, #tpu.memory_space<vmem>>) semaphore(%arg7 : memref<!tpu.dma_semaphore, #tpu.memory_space<semaphore_mem>>)
    %dma_wait3A = arith.constant 0 : i32
    %dma_wait3A_5 = arith.constant 0 : i32
    %dma_wait3A_6 = tpu.memref_slice %arg2[%dma_wait3A, %dma_wait3A_5] : memref<8960x768xf32, #tpu.memory_space<hbm>> -> memref<8960x768xf32, #tpu.memory_space<hbm>>
    tpu.wait_indirect_dma semaphore(%arg7 : memref<!tpu.dma_semaphore, #tpu.memory_space<semaphore_mem>>) src(%dma_wait3A_6 : memref<8960x768xf32, #tpu.memory_space<hbm>>) dst(%arg6 : memref<128x768xf32, #tpu.memory_space<vmem>>)
    "tpu.region"() ({
      %run_scoped3A = tpu.sem_alloc : memref<!tpu.dma_semaphore, #tpu.memory_space<semaphore_mem>>
      %dma_start3A_7 = arith.constant 0 : i32
      %dma_start3A_8 = tpu.memref_slice %arg4[%mul3A_2, %dma_start3A_7] : memref<4096x768xf32, #tpu.memory_space<hbm>> -> memref<128x768xf32, #tpu.memory_space<hbm>>
      %dma_start3A_9 = arith.constant 0 : i32
      %dma_start3A_10 = tpu.memref_slice %arg4[%mul3A_2, %dma_start3A_9] : memref<4096x768xf32, #tpu.memory_space<hbm>> -> memref<128x768xf32, #tpu.memory_space<hbm>>
      tpu.enqueue_dma source(%arg6 : memref<128x768xf32, #tpu.memory_space<vmem>>) target(%dma_start3A_10 : memref<128x768xf32, #tpu.memory_space<hbm>>) target_semaphore(%run_scoped3A : memref<!tpu.dma_semaphore, #tpu.memory_space<semaphore_mem>>)
      %dma_wait3A_11 = arith.constant 0 : i32
      %dma_wait3A_12 = tpu.memref_slice %arg4[%mul3A_2, %dma_wait3A_11] : memref<4096x768xf32, #tpu.memory_space<hbm>> -> memref<128x768xf32, #tpu.memory_space<hbm>>
      %dma_wait3A_13 = arith.constant 0 : i32
      %dma_wait3A_14 = tpu.memref_slice %arg4[%mul3A_2, %dma_wait3A_13] : memref<4096x768xf32, #tpu.memory_space<hbm>> -> memref<128x768xf32, #tpu.memory_space<hbm>>
      tpu.wait_dma2 semaphore(%run_scoped3A : memref<!tpu.dma_semaphore, #tpu.memory_space<semaphore_mem>>) src(%arg6 : memref<128x768xf32, #tpu.memory_space<vmem>>) dst(%dma_wait3A_14 : memref<128x768xf32, #tpu.memory_space<hbm>>)
      tpu.yield
    }) : () -> ()
    return
  }
}

#map = affine_map<(d0, d1) -> (0, 0)>
#map1 = affine_map<(d0, d1) -> (0)>
module attributes {stable_mosaic.version = 14 : i64} {
  func.func @_scatter(%arg0: i32, %arg1: i32, %arg2: memref<4096x768xf32, #tpu.memory_space<hbm>>, %arg3: memref<4096xi32, #tpu.memory_space<hbm>>, %arg4: memref<8960x768xf32, #tpu.memory_space<hbm>>, %arg5: memref<128xi32, #tpu.memory_space<vmem>>, %arg6: memref<128x768xf32, #tpu.memory_space<vmem>>, %arg7: memref<!tpu.dma_semaphore, #tpu.memory_space<semaphore_mem>>) attributes {dimension_semantics = [#tpu.dimension_semantics<core_parallel>, #tpu.dimension_semantics<subcore_parallel>], iteration_bounds = array<i64: 2, 16>, scalar_prefetch = 0 : i64, scratch_operands = 3 : i64, tpu.core_type = #tpu.core_type<sc_vector_subcore>, window_params = [{transform_indices = #map}, {transform_indices = #map1}, {transform_indices = #map}]} {
    %mul3A = arith.constant 2 : i32
    %mul3A_0 = arith.muli %arg1, %mul3A : i32
    %add3A = arith.addi %mul3A_0, %arg0 : i32
    %mul3A_1 = arith.constant 128 : i32
    %mul3A_2 = arith.muli %add3A, %mul3A_1 : i32
    "tpu.region"() ({
      %run_scoped3A = tpu.sem_alloc : memref<!tpu.dma_semaphore, #tpu.memory_space<semaphore_mem>>
      %dma_start3A_7 = tpu.memref_slice %arg3[%mul3A_2] : memref<4096xi32, #tpu.memory_space<hbm>> -> memref<128xi32, #tpu.memory_space<hbm>>
      %dma_start3A_8 = tpu.memref_slice %arg3[%mul3A_2] : memref<4096xi32, #tpu.memory_space<hbm>> -> memref<128xi32, #tpu.memory_space<hbm>>
      tpu.enqueue_dma source(%dma_start3A_8 : memref<128xi32, #tpu.memory_space<hbm>>) target(%arg5 : memref<128xi32, #tpu.memory_space<vmem>>) target_semaphore(%run_scoped3A : memref<!tpu.dma_semaphore, #tpu.memory_space<semaphore_mem>>)
      %dma_wait3A_9 = tpu.memref_slice %arg3[%mul3A_2] : memref<4096xi32, #tpu.memory_space<hbm>> -> memref<128xi32, #tpu.memory_space<hbm>>
      %dma_wait3A_10 = tpu.memref_slice %arg3[%mul3A_2] : memref<4096xi32, #tpu.memory_space<hbm>> -> memref<128xi32, #tpu.memory_space<hbm>>
      tpu.wait_dma2 semaphore(%run_scoped3A : memref<!tpu.dma_semaphore, #tpu.memory_space<semaphore_mem>>) src(%dma_wait3A_10 : memref<128xi32, #tpu.memory_space<hbm>>) dst(%arg5 : memref<128xi32, #tpu.memory_space<vmem>>)
      tpu.yield
    }) : () -> ()
    "tpu.region"() ({
      %run_scoped3A = tpu.sem_alloc : memref<!tpu.dma_semaphore, #tpu.memory_space<semaphore_mem>>
      %dma_start3A_7 = arith.constant 0 : i32
      %dma_start3A_8 = tpu.memref_slice %arg2[%mul3A_2, %dma_start3A_7] : memref<4096x768xf32, #tpu.memory_space<hbm>> -> memref<128x768xf32, #tpu.memory_space<hbm>>
      %dma_start3A_9 = arith.constant 0 : i32
      %dma_start3A_10 = tpu.memref_slice %arg2[%mul3A_2, %dma_start3A_9] : memref<4096x768xf32, #tpu.memory_space<hbm>> -> memref<128x768xf32, #tpu.memory_space<hbm>>
      tpu.enqueue_dma source(%dma_start3A_10 : memref<128x768xf32, #tpu.memory_space<hbm>>) target(%arg6 : memref<128x768xf32, #tpu.memory_space<vmem>>) target_semaphore(%run_scoped3A : memref<!tpu.dma_semaphore, #tpu.memory_space<semaphore_mem>>)
      %dma_wait3A_11 = arith.constant 0 : i32
      %dma_wait3A_12 = tpu.memref_slice %arg2[%mul3A_2, %dma_wait3A_11] : memref<4096x768xf32, #tpu.memory_space<hbm>> -> memref<128x768xf32, #tpu.memory_space<hbm>>
      %dma_wait3A_13 = arith.constant 0 : i32
      %dma_wait3A_14 = tpu.memref_slice %arg2[%mul3A_2, %dma_wait3A_13] : memref<4096x768xf32, #tpu.memory_space<hbm>> -> memref<128x768xf32, #tpu.memory_space<hbm>>
      tpu.wait_dma2 semaphore(%run_scoped3A : memref<!tpu.dma_semaphore, #tpu.memory_space<semaphore_mem>>) src(%dma_wait3A_14 : memref<128x768xf32, #tpu.memory_space<hbm>>) dst(%arg6 : memref<128x768xf32, #tpu.memory_space<vmem>>)
      tpu.yield
    }) : () -> ()
    %dma_start3A = arith.constant 0 : i32
    %dma_start3A_3 = arith.constant 0 : i32
    %dma_start3A_4 = tpu.memref_slice %arg4[%dma_start3A, %dma_start3A_3] : memref<8960x768xf32, #tpu.memory_space<hbm>> -> memref<8960x768xf32, #tpu.memory_space<hbm>>
    tpu.enqueue_indirect_dma source(%arg6 : memref<128x768xf32, #tpu.memory_space<vmem>>) target(%dma_start3A_4 : memref<8960x768xf32, #tpu.memory_space<hbm>>) offsets(%arg5 : memref<128xi32, #tpu.memory_space<vmem>>) semaphore(%arg7 : memref<!tpu.dma_semaphore, #tpu.memory_space<semaphore_mem>>)
    %dma_wait3A = arith.constant 0 : i32
    %dma_wait3A_5 = arith.constant 0 : i32
    %dma_wait3A_6 = tpu.memref_slice %arg4[%dma_wait3A, %dma_wait3A_5] : memref<8960x768xf32, #tpu.memory_space<hbm>> -> memref<8960x768xf32, #tpu.memory_space<hbm>>
    tpu.wait_indirect_dma semaphore(%arg7 : memref<!tpu.dma_semaphore, #tpu.memory_space<semaphore_mem>>) src(%arg6 : memref<128x768xf32, #tpu.memory_space<vmem>>) dst(%dma_wait3A_6 : memref<8960x768xf32, #tpu.memory_space<hbm>>)
    return
  }
}

module attributes {stable_mosaic.version = 14 : i64} {
  func.func @_ffn_body(%arg0: i32, %arg1: memref<28xi32, #tpu.memory_space<smem>>, %arg2: memref<1xi32, #tpu.memory_space<smem>>, %arg3: memref<320x768xf32, #tpu.memory_space<vmem>>, %arg4: memref<1x768x1024xf32, #tpu.memory_space<vmem>>, %arg5: memref<1x1x1024xf32, #tpu.memory_space<vmem>>, %arg6: memref<1x1024x768xf32, #tpu.memory_space<vmem>>, %arg7: memref<1x1x768xf32, #tpu.memory_space<vmem>>, %arg8: memref<320x768xf32, #tpu.memory_space<vmem>>) attributes {dimension_semantics = [#tpu.dimension_semantics<arbitrary>], iteration_bounds = array<i64: 28>, scalar_prefetch = 2 : i64, scratch_operands = 0 : i64, tpu.core_type = #tpu.core_type<tc>, window_params = [{transform_indices = @transform_0, window_bounds = array<i64: 320, 768>}, {transform_indices = @transform_1, window_bounds = array<i64: 1, 768, 1024>}, {transform_indices = @transform_2, window_bounds = array<i64: 1, 1, 1024>}, {transform_indices = @transform_3, window_bounds = array<i64: 1, 1024, 768>}, {transform_indices = @transform_4, window_bounds = array<i64: 1, 1, 768>}, {transform_indices = @transform_5, window_bounds = array<i64: 320, 768>}]} {
    %get3A = arith.constant 0 : index
    %get3A_0 = memref.load %arg2[%get3A] : memref<1xi32, #tpu.memory_space<smem>>
    %lt3A = arith.cmpi slt, %arg0, %get3A_0 : i32
    %convert_element_type3A = arith.extui %lt3A : i1 to i32
    %cond3A = arith.constant 0 : i32
    %cond3A_1 = arith.cmpi ne, %convert_element_type3A, %cond3A : i32
    scf.if %cond3A_1 {
      %get3A_2 = arith.constant 0 : index
      %get3A_3 = arith.constant 0 : index
      %get3A_4 = vector.load %arg3[%get3A_2, %get3A_3] : memref<320x768xf32, #tpu.memory_space<vmem>>, vector<320x768xf32>
      %get3A_5 = arith.constant 0 : index
      %get3A_6 = arith.constant 0 : index
      %get3A_7 = arith.constant 0 : index
      %get3A_8 = vector.load %arg4[%get3A_5, %get3A_6, %get3A_7] : memref<1x768x1024xf32, #tpu.memory_space<vmem>>, vector<1x768x1024xf32>
      %get3A_9 = vector.shape_cast %get3A_8 : vector<1x768x1024xf32> to vector<768x1024xf32>
      %dot_general3A = arith.constant dense<0.000000e+00> : vector<320x1024xf32>
      %dot_general3A_10 = tpu.matmul %get3A_4, %get3A_9, %dot_general3A {dimension_numbers = #tpu.dot_dimension_numbers<[1], [0], [0], [1], [0, 0, 1, 1], [], []>, transpose_lhs_hint = false} : vector<320x768xf32>, vector<768x1024xf32>, vector<320x1024xf32> -> vector<320x1024xf32>
      %get3A_11 = arith.constant 0 : index
      %get3A_12 = arith.constant 0 : index
      %get3A_13 = arith.constant 0 : index
      %get3A_14 = vector.load %arg5[%get3A_11, %get3A_12, %get3A_13] : memref<1x1x1024xf32, #tpu.memory_space<vmem>>, vector<1x1x1024xf32>
      %get3A_15 = vector.shape_cast %get3A_14 : vector<1x1x1024xf32> to vector<1x1024xf32>
      %add3A = vector.broadcast %get3A_15 : vector<1x1024xf32> to vector<320x1024xf32>
      %add3A_16 = arith.addf %dot_general3A_10, %add3A : vector<320x1024xf32>
      %integer_pow3A = arith.mulf %add3A_16, %add3A_16 : vector<320x1024xf32>
      %integer_pow3A_17 = arith.mulf %add3A_16, %integer_pow3A : vector<320x1024xf32>
      %mul3A = arith.constant 4.471500e-02 : f32
      %mul3A_18 = vector.broadcast %mul3A : f32 to vector<320x1024xf32>
      %mul3A_19 = arith.mulf %mul3A_18, %integer_pow3A_17 : vector<320x1024xf32>
      %add3A_20 = arith.addf %add3A_16, %mul3A_19 : vector<320x1024xf32>
      %mul3A_21 = arith.constant 0.797884583 : f32
      %mul3A_22 = vector.broadcast %mul3A_21 : f32 to vector<320x1024xf32>
      %mul3A_23 = arith.mulf %mul3A_22, %add3A_20 : vector<320x1024xf32>
      %tanh3A = math.tanh %mul3A_23 : vector<320x1024xf32>
      %add3A_24 = arith.constant 1.000000e+00 : f32
      %add3A_25 = vector.broadcast %add3A_24 : f32 to vector<320x1024xf32>
      %add3A_26 = arith.addf %add3A_25, %tanh3A : vector<320x1024xf32>
      %mul3A_27 = arith.constant 5.000000e-01 : f32
      %mul3A_28 = vector.broadcast %mul3A_27 : f32 to vector<320x1024xf32>
      %mul3A_29 = arith.mulf %mul3A_28, %add3A_26 : vector<320x1024xf32>
      %mul3A_30 = arith.mulf %add3A_16, %mul3A_29 : vector<320x1024xf32>
      %get3A_31 = arith.constant 0 : index
      %get3A_32 = arith.constant 0 : index
      %get3A_33 = arith.constant 0 : index
      %get3A_34 = vector.load %arg6[%get3A_31, %get3A_32, %get3A_33] : memref<1x1024x768xf32, #tpu.memory_space<vmem>>, vector<1x1024x768xf32>
      %get3A_35 = vector.shape_cast %get3A_34 : vector<1x1024x768xf32> to vector<1024x768xf32>
      %dot_general3A_36 = arith.constant dense<0.000000e+00> : vector<320x768xf32>
      %dot_general3A_37 = tpu.matmul %mul3A_30, %get3A_35, %dot_general3A_36 {dimension_numbers = #tpu.dot_dimension_numbers<[1], [0], [0], [1], [0, 0, 1, 1], [], []>, transpose_lhs_hint = false} : vector<320x1024xf32>, vector<1024x768xf32>, vector<320x768xf32> -> vector<320x768xf32>
      %get3A_38 = arith.constant 0 : index
      %get3A_39 = arith.constant 0 : index
      %get3A_40 = arith.constant 0 : index
      %get3A_41 = vector.load %arg7[%get3A_38, %get3A_39, %get3A_40] : memref<1x1x768xf32, #tpu.memory_space<vmem>>, vector<1x1x768xf32>
      %get3A_42 = vector.shape_cast %get3A_41 : vector<1x1x768xf32> to vector<1x768xf32>
      %add3A_43 = vector.broadcast %get3A_42 : vector<1x768xf32> to vector<320x768xf32>
      %add3A_44 = arith.addf %dot_general3A_37, %add3A_43 : vector<320x768xf32>
      %swap3A = arith.constant 0 : index
      %swap3A_45 = arith.constant 0 : index
      %swap3A_46 = vector.load %arg8[%swap3A, %swap3A_45] : memref<320x768xf32, #tpu.memory_space<vmem>>, vector<320x768xf32>
      tpu.vector_store %arg8[%swap3A, %swap3A_45], %add3A_44 {strides = array<i32>} : memref<320x768xf32, #tpu.memory_space<vmem>>, vector<320x768xf32>,
    } else {
    }
    return
  }
  func.func @transform_0(%arg0: i32, %arg1: memref<28xi32, #tpu.memory_space<smem>>, %arg2: memref<1xi32, #tpu.memory_space<smem>>) -> (i32, i32) {
    %get3A = arith.constant 0 : index
    %get3A_0 = memref.load %arg2[%get3A] : memref<1xi32, #tpu.memory_space<smem>>
    %sub3A = arith.constant 1 : i32
    %sub3A_1 = arith.subi %get3A_0, %sub3A : i32
    %min3A = arith.minsi %arg0, %sub3A_1 : i32
    %c0_i32 = arith.constant 0 : i32
    %c0_i32_2 = arith.constant 0 : i32
    return %min3A, %c0_i32 : i32, i32
  }
  func.func @transform_1(%arg0: i32, %arg1: memref<28xi32, #tpu.memory_space<smem>>, %arg2: memref<1xi32, #tpu.memory_space<smem>>) -> (i32, i32, i32) {
    %get3A = arith.index_cast %arg0 : i32 to index
    %get3A_0 = memref.load %arg1[%get3A] : memref<28xi32, #tpu.memory_space<smem>>
    %c0_i32 = arith.constant 0 : i32
    %c0_i32_1 = arith.constant 0 : i32
    %c0_i32_2 = arith.constant 0 : i32
    return %get3A_0, %c0_i32, %c0_i32_1 : i32, i32, i32
  }
  func.func @transform_2(%arg0: i32, %arg1: memref<28xi32, #tpu.memory_space<smem>>, %arg2: memref<1xi32, #tpu.memory_space<smem>>) -> (i32, i32, i32) {
    %get3A = arith.index_cast %arg0 : i32 to index
    %get3A_0 = memref.load %arg1[%get3A] : memref<28xi32, #tpu.memory_space<smem>>
    %c0_i32 = arith.constant 0 : i32
    %c0_i32_1 = arith.constant 0 : i32
    %c0_i32_2 = arith.constant 0 : i32
    return %get3A_0, %c0_i32, %c0_i32_1 : i32, i32, i32
  }
  func.func @transform_3(%arg0: i32, %arg1: memref<28xi32, #tpu.memory_space<smem>>, %arg2: memref<1xi32, #tpu.memory_space<smem>>) -> (i32, i32, i32) {
    %get3A = arith.index_cast %arg0 : i32 to index
    %get3A_0 = memref.load %arg1[%get3A] : memref<28xi32, #tpu.memory_space<smem>>
    %c0_i32 = arith.constant 0 : i32
    %c0_i32_1 = arith.constant 0 : i32
    %c0_i32_2 = arith.constant 0 : i32
    return %get3A_0, %c0_i32, %c0_i32_1 : i32, i32, i32
  }
  func.func @transform_4(%arg0: i32, %arg1: memref<28xi32, #tpu.memory_space<smem>>, %arg2: memref<1xi32, #tpu.memory_space<smem>>) -> (i32, i32, i32) {
    %get3A = arith.index_cast %arg0 : i32 to index
    %get3A_0 = memref.load %arg1[%get3A] : memref<28xi32, #tpu.memory_space<smem>>
    %c0_i32 = arith.constant 0 : i32
    %c0_i32_1 = arith.constant 0 : i32
    %c0_i32_2 = arith.constant 0 : i32
    return %get3A_0, %c0_i32, %c0_i32_1 : i32, i32, i32
  }
  func.func @transform_5(%arg0: i32, %arg1: memref<28xi32, #tpu.memory_space<smem>>, %arg2: memref<1xi32, #tpu.memory_space<smem>>) -> (i32, i32) {
    %get3A = arith.constant 0 : index
    %get3A_0 = memref.load %arg2[%get3A] : memref<1xi32, #tpu.memory_space<smem>>
    %sub3A = arith.constant 1 : i32
    %sub3A_1 = arith.subi %get3A_0, %sub3A : i32
    %min3A = arith.minsi %arg0, %sub3A_1 : i32
    %c0_i32 = arith.constant 0 : i32
    %c0_i32_2 = arith.constant 0 : i32
    return %min3A, %c0_i32 : i32, i32
  }
}

module attributes {stable_mosaic.version = 14 : i64} {
  func.func @_mixer_body(%arg0: i32, %arg1: memref<1x256x768xf32, #tpu.memory_space<vmem>>, %arg2: memref<768x768xf32, #tpu.memory_space<vmem>>, %arg3: memref<1x768xf32, #tpu.memory_space<vmem>>, %arg4: memref<768x768xf32, #tpu.memory_space<vmem>>, %arg5: memref<1x768xf32, #tpu.memory_space<vmem>>, %arg6: memref<768x768xf32, #tpu.memory_space<vmem>>, %arg7: memref<1x768xf32, #tpu.memory_space<vmem>>, %arg8: memref<768x16xf32, #tpu.memory_space<vmem>>, %arg9: memref<1x16xf32, #tpu.memory_space<vmem>>, %arg10: memref<1x256x768xf32, #tpu.memory_space<vmem>>, %arg11: memref<4096x1xi32, #tpu.memory_space<vmem>>, %arg12: memref<256x1xf32, #tpu.memory_space<vmem>>, %arg13: memref<1x768xf32, #tpu.memory_space<vmem>>, %arg14: memref<4096x1xi32, #tpu.memory_space<vmem>>, %arg15: memref<4096x1xf32, #tpu.memory_space<vmem>>, %arg16: memref<16x16xf32, #tpu.memory_space<vmem>>) attributes {dimension_semantics = [#tpu.dimension_semantics<arbitrary>], iteration_bounds = array<i64: 17>, scalar_prefetch = 0 : i64, scratch_operands = 4 : i64, tpu.core_type = #tpu.core_type<tc>, window_params = [{transform_indices = @transform_0, window_bounds = array<i64: 1, 256, 768>}, {pipeline_mode = #tpu.pipeline_mode<synchronous>, transform_indices = @transform_1, window_bounds = array<i64: 768, 768>}, {pipeline_mode = #tpu.pipeline_mode<synchronous>, transform_indices = @transform_2, window_bounds = array<i64: 1, 768>}, {pipeline_mode = #tpu.pipeline_mode<synchronous>, transform_indices = @transform_3, window_bounds = array<i64: 768, 768>}, {pipeline_mode = #tpu.pipeline_mode<synchronous>, transform_indices = @transform_4, window_bounds = array<i64: 1, 768>}, {pipeline_mode = #tpu.pipeline_mode<synchronous>, transform_indices = @transform_5, window_bounds = array<i64: 768, 768>}, {pipeline_mode = #tpu.pipeline_mode<synchronous>, transform_indices = @transform_6, window_bounds = array<i64: 1, 768>}, {pipeline_mode = #tpu.pipeline_mode<synchronous>, transform_indices = @transform_7, window_bounds = array<i64: 768, 16>}, {pipeline_mode = #tpu.pipeline_mode<synchronous>, transform_indices = @transform_8, window_bounds = array<i64: 1, 16>}, {transform_indices = @transform_9, window_bounds = array<i64: 1, 256, 768>}, {pipeline_mode = #tpu.pipeline_mode<synchronous>, transform_indices = @transform_10, window_bounds = array<i64: 4096, 1>}, {pipeline_mode = #tpu.pipeline_mode<synchronous>, transform_indices = @transform_11, window_bounds = array<i64: 256, 1>}]} {
    %lt3A = arith.constant 16 : i32
    %lt3A_0 = arith.cmpi slt, %arg0, %lt3A : i32
    %convert_element_type3A = arith.extui %lt3A_0 : i1 to i32
    %cond3A = arith.constant 0 : i32
    %cond3A_1 = arith.cmpi ne, %convert_element_type3A, %cond3A : i32
    scf.if %cond3A_1 {
      %get3A = arith.constant 0 : index
      %get3A_6 = arith.constant 0 : index
      %get3A_7 = arith.constant 0 : index
      %get3A_8 = vector.load %arg1[%get3A, %get3A_6, %get3A_7] : memref<1x256x768xf32, #tpu.memory_space<vmem>>, vector<1x256x768xf32>
      %get3A_9 = vector.shape_cast %get3A_8 : vector<1x256x768xf32> to vector<256x768xf32>
      %get3A_10 = arith.constant 0 : index
      %get3A_11 = arith.constant 0 : index
      %get3A_12 = vector.load %arg2[%get3A_10, %get3A_11] : memref<768x768xf32, #tpu.memory_space<vmem>>, vector<768x768xf32>
      %dot_general3A = arith.constant dense<0.000000e+00> : vector<256x768xf32>
      %dot_general3A_13 = tpu.matmul %get3A_9, %get3A_12, %dot_general3A {dimension_numbers = #tpu.dot_dimension_numbers<[1], [0], [0], [1], [0, 0, 1, 1], [], []>, transpose_lhs_hint = false} : vector<256x768xf32>, vector<768x768xf32>, vector<256x768xf32> -> vector<256x768xf32>
      %get3A_14 = arith.constant 0 : index
      %get3A_15 = arith.constant 0 : index
      %get3A_16 = vector.load %arg3[%get3A_14, %get3A_15] : memref<1x768xf32, #tpu.memory_space<vmem>>, vector<1x768xf32>
      %add3A = vector.broadcast %get3A_16 : vector<1x768xf32> to vector<256x768xf32>
      %add3A_17 = arith.addf %dot_general3A_13, %add3A : vector<256x768xf32>
      %logistic3A = arith.negf %add3A_17 : vector<256x768xf32>
      %logistic3A_18 = math.exp %logistic3A : vector<256x768xf32>
      %logistic3A_19 = arith.constant 1.000000e+00 : f32
      %logistic3A_20 = vector.broadcast %logistic3A_19 : f32 to vector<256x768xf32>
      %logistic3A_21 = arith.addf %logistic3A_20, %logistic3A_18 : vector<256x768xf32>
      %logistic3A_22 = arith.divf %logistic3A_20, %logistic3A_21 : vector<256x768xf32>
      %get3A_23 = arith.constant 0 : index
      %get3A_24 = arith.constant 0 : index
      %get3A_25 = vector.load %arg4[%get3A_23, %get3A_24] : memref<768x768xf32, #tpu.memory_space<vmem>>, vector<768x768xf32>
      %dot_general3A_26 = arith.constant dense<0.000000e+00> : vector<256x768xf32>
      %dot_general3A_27 = tpu.matmul %get3A_9, %get3A_25, %dot_general3A_26 {dimension_numbers = #tpu.dot_dimension_numbers<[1], [0], [0], [1], [0, 0, 1, 1], [], []>, transpose_lhs_hint = false} : vector<256x768xf32>, vector<768x768xf32>, vector<256x768xf32> -> vector<256x768xf32>
      %get3A_28 = arith.constant 0 : index
      %get3A_29 = arith.constant 0 : index
      %get3A_30 = vector.load %arg5[%get3A_28, %get3A_29] : memref<1x768xf32, #tpu.memory_space<vmem>>, vector<1x768xf32>
      %add3A_31 = vector.broadcast %get3A_30 : vector<1x768xf32> to vector<256x768xf32>
      %add3A_32 = arith.addf %dot_general3A_27, %add3A_31 : vector<256x768xf32>
      %reshape3A = vector.shape_cast %logistic3A_22 : vector<256x768xf32> to vector<16x16x768xf32>
      %sub3A = arith.constant 1.000000e+00 : f32
      %sub3A_33 = vector.broadcast %sub3A : f32 to vector<256x768xf32>
      %sub3A_34 = arith.subf %sub3A_33, %logistic3A_22 : vector<256x768xf32>
      %mul3A = arith.mulf %sub3A_34, %add3A_32 : vector<256x768xf32>
      %reshape3A_35 = vector.shape_cast %mul3A : vector<256x768xf32> to vector<16x16x768xf32>
      %broadcast_in_dim3A = arith.constant 1.000000e+00 : f32
      %broadcast_in_dim3A_36 = vector.broadcast %broadcast_in_dim3A : f32 to vector<16x1x768xf32>
      %slice3A = vector.extract_strided_slice %reshape3A {offsets = [0, 0, 0], sizes = [16, 15, 768], strides = [1, 1, 1]} : vector<16x16x768xf32> to vector<16x15x768xf32>
      %concatenate3A = tpu.concatenate %broadcast_in_dim3A_36, %slice3A in 1 : vector<16x1x768xf32>, vector<16x15x768xf32> -> vector<16x16x768xf32>
      %broadcast_in_dim3A_37 = arith.constant 0.000000e+00 : f32
      %broadcast_in_dim3A_38 = vector.broadcast %broadcast_in_dim3A_37 : f32 to vector<16x1x768xf32>
      %slice3A_39 = vector.extract_strided_slice %reshape3A_35 {offsets = [0, 0, 0], sizes = [16, 15, 768], strides = [1, 1, 1]} : vector<16x16x768xf32> to vector<16x15x768xf32>
      %concatenate3A_40 = tpu.concatenate %broadcast_in_dim3A_38, %slice3A_39 in 1 : vector<16x1x768xf32>, vector<16x15x768xf32> -> vector<16x16x768xf32>
      %mul3A_41 = arith.mulf %concatenate3A_40, %reshape3A : vector<16x16x768xf32>
      %add3A_42 = arith.addf %mul3A_41, %reshape3A_35 : vector<16x16x768xf32>
      %mul3A_43 = arith.mulf %concatenate3A, %reshape3A : vector<16x16x768xf32>
      %broadcast_in_dim3A_44 = arith.constant 1.000000e+00 : f32
      %broadcast_in_dim3A_45 = vector.broadcast %broadcast_in_dim3A_44 : f32 to vector<16x2x768xf32>
      %slice3A_46 = vector.extract_strided_slice %mul3A_43 {offsets = [0, 0, 0], sizes = [16, 14, 768], strides = [1, 1, 1]} : vector<16x16x768xf32> to vector<16x14x768xf32>
      %concatenate3A_47 = tpu.concatenate %broadcast_in_dim3A_45, %slice3A_46 in 1 : vector<16x2x768xf32>, vector<16x14x768xf32> -> vector<16x16x768xf32>
      %broadcast_in_dim3A_48 = arith.constant 0.000000e+00 : f32
      %broadcast_in_dim3A_49 = vector.broadcast %broadcast_in_dim3A_48 : f32 to vector<16x2x768xf32>
      %slice3A_50 = vector.extract_strided_slice %add3A_42 {offsets = [0, 0, 0], sizes = [16, 14, 768], strides = [1, 1, 1]} : vector<16x16x768xf32> to vector<16x14x768xf32>
      %concatenate3A_51 = tpu.concatenate %broadcast_in_dim3A_49, %slice3A_50 in 1 : vector<16x2x768xf32>, vector<16x14x768xf32> -> vector<16x16x768xf32>
      %mul3A_52 = arith.mulf %concatenate3A_51, %mul3A_43 : vector<16x16x768xf32>
      %add3A_53 = arith.addf %mul3A_52, %add3A_42 : vector<16x16x768xf32>
      %mul3A_54 = arith.mulf %concatenate3A_47, %mul3A_43 : vector<16x16x768xf32>
      %broadcast_in_dim3A_55 = arith.constant 1.000000e+00 : f32
      %broadcast_in_dim3A_56 = vector.broadcast %broadcast_in_dim3A_55 : f32 to vector<16x4x768xf32>
      %slice3A_57 = vector.extract_strided_slice %mul3A_54 {offsets = [0, 0, 0], sizes = [16, 12, 768], strides = [1, 1, 1]} : vector<16x16x768xf32> to vector<16x12x768xf32>
      %concatenate3A_58 = tpu.concatenate %broadcast_in_dim3A_56, %slice3A_57 in 1 : vector<16x4x768xf32>, vector<16x12x768xf32> -> vector<16x16x768xf32>
      %broadcast_in_dim3A_59 = arith.constant 0.000000e+00 : f32
      %broadcast_in_dim3A_60 = vector.broadcast %broadcast_in_dim3A_59 : f32 to vector<16x4x768xf32>
      %slice3A_61 = vector.extract_strided_slice %add3A_53 {offsets = [0, 0, 0], sizes = [16, 12, 768], strides = [1, 1, 1]} : vector<16x16x768xf32> to vector<16x12x768xf32>
      %concatenate3A_62 = tpu.concatenate %broadcast_in_dim3A_60, %slice3A_61 in 1 : vector<16x4x768xf32>, vector<16x12x768xf32> -> vector<16x16x768xf32>
      %mul3A_63 = arith.mulf %concatenate3A_62, %mul3A_54 : vector<16x16x768xf32>
      %add3A_64 = arith.addf %mul3A_63, %add3A_53 : vector<16x16x768xf32>
      %mul3A_65 = arith.mulf %concatenate3A_58, %mul3A_54 : vector<16x16x768xf32>
      %broadcast_in_dim3A_66 = arith.constant 1.000000e+00 : f32
      %broadcast_in_dim3A_67 = vector.broadcast %broadcast_in_dim3A_66 : f32 to vector<16x8x768xf32>
      %slice3A_68 = vector.extract_strided_slice %mul3A_65 {offsets = [0, 0, 0], sizes = [16, 8, 768], strides = [1, 1, 1]} : vector<16x16x768xf32> to vector<16x8x768xf32>
      %concatenate3A_69 = tpu.concatenate %broadcast_in_dim3A_67, %slice3A_68 in 1 : vector<16x8x768xf32>, vector<16x8x768xf32> -> vector<16x16x768xf32>
      %broadcast_in_dim3A_70 = arith.constant 0.000000e+00 : f32
      %broadcast_in_dim3A_71 = vector.broadcast %broadcast_in_dim3A_70 : f32 to vector<16x8x768xf32>
      %slice3A_72 = vector.extract_strided_slice %add3A_64 {offsets = [0, 0, 0], sizes = [16, 8, 768], strides = [1, 1, 1]} : vector<16x16x768xf32> to vector<16x8x768xf32>
      %concatenate3A_73 = tpu.concatenate %broadcast_in_dim3A_71, %slice3A_72 in 1 : vector<16x8x768xf32>, vector<16x8x768xf32> -> vector<16x16x768xf32>
      %mul3A_74 = arith.mulf %concatenate3A_73, %mul3A_65 : vector<16x16x768xf32>
      %add3A_75 = arith.addf %mul3A_74, %add3A_64 : vector<16x16x768xf32>
      %mul3A_76 = arith.mulf %concatenate3A_69, %mul3A_65 : vector<16x16x768xf32>
      %slice3A_77 = vector.extract_strided_slice %mul3A_76 {offsets = [0, 15, 0], sizes = [16, 1, 768], strides = [1, 1, 1]} : vector<16x16x768xf32> to vector<16x1x768xf32>
      %squeeze3A = vector.shape_cast %slice3A_77 : vector<16x1x768xf32> to vector<16x768xf32>
      %slice3A_78 = vector.extract_strided_slice %add3A_75 {offsets = [0, 15, 0], sizes = [16, 1, 768], strides = [1, 1, 1]} : vector<16x16x768xf32> to vector<16x1x768xf32>
      %squeeze3A_79 = vector.shape_cast %slice3A_78 : vector<16x1x768xf32> to vector<16x768xf32>
      %broadcast_in_dim3A_80 = arith.constant 1.000000e+00 : f32
      %broadcast_in_dim3A_81 = vector.broadcast %broadcast_in_dim3A_80 : f32 to vector<1x768xf32>
      %slice3A_82 = vector.extract_strided_slice %squeeze3A {offsets = [0, 0], sizes = [15, 768], strides = [1, 1]} : vector<16x768xf32> to vector<15x768xf32>
      %concatenate3A_83 = tpu.concatenate %broadcast_in_dim3A_81, %slice3A_82 in 0 : vector<1x768xf32>, vector<15x768xf32> -> vector<16x768xf32>
      %broadcast_in_dim3A_84 = arith.constant 0.000000e+00 : f32
      %broadcast_in_dim3A_85 = vector.broadcast %broadcast_in_dim3A_84 : f32 to vector<1x768xf32>
      %slice3A_86 = vector.extract_strided_slice %squeeze3A_79 {offsets = [0, 0], sizes = [15, 768], strides = [1, 1]} : vector<16x768xf32> to vector<15x768xf32>
      %concatenate3A_87 = tpu.concatenate %broadcast_in_dim3A_85, %slice3A_86 in 0 : vector<1x768xf32>, vector<15x768xf32> -> vector<16x768xf32>
      %mul3A_88 = arith.mulf %concatenate3A_87, %squeeze3A : vector<16x768xf32>
      %add3A_89 = arith.addf %mul3A_88, %squeeze3A_79 : vector<16x768xf32>
      %mul3A_90 = arith.mulf %concatenate3A_83, %squeeze3A : vector<16x768xf32>
      %broadcast_in_dim3A_91 = arith.constant 1.000000e+00 : f32
      %broadcast_in_dim3A_92 = vector.broadcast %broadcast_in_dim3A_91 : f32 to vector<2x768xf32>
      %slice3A_93 = vector.extract_strided_slice %mul3A_90 {offsets = [0, 0], sizes = [14, 768], strides = [1, 1]} : vector<16x768xf32> to vector<14x768xf32>
      %concatenate3A_94 = tpu.concatenate %broadcast_in_dim3A_92, %slice3A_93 in 0 : vector<2x768xf32>, vector<14x768xf32> -> vector<16x768xf32>
      %broadcast_in_dim3A_95 = arith.constant 0.000000e+00 : f32
      %broadcast_in_dim3A_96 = vector.broadcast %broadcast_in_dim3A_95 : f32 to vector<2x768xf32>
      %slice3A_97 = vector.extract_strided_slice %add3A_89 {offsets = [0, 0], sizes = [14, 768], strides = [1, 1]} : vector<16x768xf32> to vector<14x768xf32>
      %concatenate3A_98 = tpu.concatenate %broadcast_in_dim3A_96, %slice3A_97 in 0 : vector<2x768xf32>, vector<14x768xf32> -> vector<16x768xf32>
      %mul3A_99 = arith.mulf %concatenate3A_98, %mul3A_90 : vector<16x768xf32>
      %add3A_100 = arith.addf %mul3A_99, %add3A_89 : vector<16x768xf32>
      %mul3A_101 = arith.mulf %concatenate3A_94, %mul3A_90 : vector<16x768xf32>
      %broadcast_in_dim3A_102 = arith.constant 1.000000e+00 : f32
      %broadcast_in_dim3A_103 = vector.broadcast %broadcast_in_dim3A_102 : f32 to vector<4x768xf32>
      %slice3A_104 = vector.extract_strided_slice %mul3A_101 {offsets = [0, 0], sizes = [12, 768], strides = [1, 1]} : vector<16x768xf32> to vector<12x768xf32>
      %concatenate3A_105 = tpu.concatenate %broadcast_in_dim3A_103, %slice3A_104 in 0 : vector<4x768xf32>, vector<12x768xf32> -> vector<16x768xf32>
      %broadcast_in_dim3A_106 = arith.constant 0.000000e+00 : f32
      %broadcast_in_dim3A_107 = vector.broadcast %broadcast_in_dim3A_106 : f32 to vector<4x768xf32>
      %slice3A_108 = vector.extract_strided_slice %add3A_100 {offsets = [0, 0], sizes = [12, 768], strides = [1, 1]} : vector<16x768xf32> to vector<12x768xf32>
      %concatenate3A_109 = tpu.concatenate %broadcast_in_dim3A_107, %slice3A_108 in 0 : vector<4x768xf32>, vector<12x768xf32> -> vector<16x768xf32>
      %mul3A_110 = arith.mulf %concatenate3A_109, %mul3A_101 : vector<16x768xf32>
      %add3A_111 = arith.addf %mul3A_110, %add3A_100 : vector<16x768xf32>
      %mul3A_112 = arith.mulf %concatenate3A_105, %mul3A_101 : vector<16x768xf32>
      %broadcast_in_dim3A_113 = arith.constant 1.000000e+00 : f32
      %broadcast_in_dim3A_114 = vector.broadcast %broadcast_in_dim3A_113 : f32 to vector<8x768xf32>
      %slice3A_115 = vector.extract_strided_slice %mul3A_112 {offsets = [0, 0], sizes = [8, 768], strides = [1, 1]} : vector<16x768xf32> to vector<8x768xf32>
      %concatenate3A_116 = tpu.concatenate %broadcast_in_dim3A_114, %slice3A_115 in 0 : vector<8x768xf32>, vector<8x768xf32> -> vector<16x768xf32>
      %broadcast_in_dim3A_117 = arith.constant 0.000000e+00 : f32
      %broadcast_in_dim3A_118 = vector.broadcast %broadcast_in_dim3A_117 : f32 to vector<8x768xf32>
      %slice3A_119 = vector.extract_strided_slice %add3A_111 {offsets = [0, 0], sizes = [8, 768], strides = [1, 1]} : vector<16x768xf32> to vector<8x768xf32>
      %concatenate3A_120 = tpu.concatenate %broadcast_in_dim3A_118, %slice3A_119 in 0 : vector<8x768xf32>, vector<8x768xf32> -> vector<16x768xf32>
      %mul3A_121 = arith.mulf %concatenate3A_120, %mul3A_112 : vector<16x768xf32>
      %add3A_122 = arith.addf %mul3A_121, %add3A_111 : vector<16x768xf32>
      %mul3A_123 = arith.mulf %concatenate3A_116, %mul3A_112 : vector<16x768xf32>
      %jit3A = arith.constant 8 : i32
      %eq3A_124 = arith.constant 0 : i32
      %eq3A_125 = arith.cmpi eq, %jit3A, %eq3A_124 : i32
      %jit3A_126 = arith.constant 1 : i32
      %select_n3A = arith.select %eq3A_125, %jit3A_126, %jit3A : i32
      %rem3A = arith.remsi %arg0, %select_n3A : i32
      %ne3A = arith.constant 0 : i32
      %ne3A_127 = arith.cmpi ne, %rem3A, %ne3A : i32
      %lt3A_128 = arith.constant 0 : i32
      %lt3A_129 = arith.cmpi slt, %rem3A, %lt3A_128 : i32
      %lt3A_130 = arith.constant 0 : i32
      %lt3A_131 = arith.cmpi slt, %select_n3A, %lt3A_130 : i32
      %ne3A_132 = arith.xori %lt3A_129, %lt3A_131 : i1
      %and3A = arith.andi %ne3A_132, %ne3A_127 : i1
      %add3A_133 = arith.addi %rem3A, %select_n3A : i32
      %select_n3A_134 = arith.select %and3A, %add3A_133, %rem3A : i32
      %eq3A_135 = arith.constant 0 : i32
      %eq3A_136 = arith.cmpi eq, %select_n3A_134, %eq3A_135 : i32
      %convert_element_type3A_137 = arith.extui %eq3A_136 : i1 to i32
      %cond3A_138 = arith.constant 0 : i32
      %cond3A_139 = arith.cmpi ne, %convert_element_type3A_137, %cond3A_138 : i32
      scf.if %cond3A_139 {
        %broadcast_in_dim3A_226 = arith.constant 0.000000e+00 : f32
        %broadcast_in_dim3A_227 = vector.broadcast %broadcast_in_dim3A_226 : f32 to vector<1x768xf32>
        %swap3A_228 = arith.constant 0 : index
        %swap3A_229 = arith.constant 0 : index
        %swap3A_230 = vector.load %arg13[%swap3A_228, %swap3A_229] : memref<1x768xf32, #tpu.memory_space<vmem>>, vector<1x768xf32>
        tpu.vector_store %arg13[%swap3A_228, %swap3A_229], %broadcast_in_dim3A_227 {strides = array<i32>} : memref<1x768xf32, #tpu.memory_space<vmem>>, vector<1x768xf32>,
      } else {
      }
      %broadcast_in_dim3A_140 = arith.constant 0.000000e+00 : f32
      %broadcast_in_dim3A_141 = vector.broadcast %broadcast_in_dim3A_140 : f32 to vector<1x768xf32>
      %slice3A_142 = vector.extract_strided_slice %add3A_122 {offsets = [0, 0], sizes = [15, 768], strides = [1, 1]} : vector<16x768xf32> to vector<15x768xf32>
      %concatenate3A_143 = tpu.concatenate %broadcast_in_dim3A_141, %slice3A_142 in 0 : vector<1x768xf32>, vector<15x768xf32> -> vector<16x768xf32>
      %broadcast_in_dim3A_144 = arith.constant 1.000000e+00 : f32
      %broadcast_in_dim3A_145 = vector.broadcast %broadcast_in_dim3A_144 : f32 to vector<1x768xf32>
      %slice3A_146 = vector.extract_strided_slice %mul3A_123 {offsets = [0, 0], sizes = [15, 768], strides = [1, 1]} : vector<16x768xf32> to vector<15x768xf32>
      %concatenate3A_147 = tpu.concatenate %broadcast_in_dim3A_145, %slice3A_146 in 0 : vector<1x768xf32>, vector<15x768xf32> -> vector<16x768xf32>
      %get3A_148 = arith.constant 0 : index
      %get3A_149 = arith.constant 0 : index
      %get3A_150 = vector.load %arg13[%get3A_148, %get3A_149] : memref<1x768xf32, #tpu.memory_space<vmem>>, vector<1x768xf32>
      %mul3A_151 = vector.broadcast %get3A_150 : vector<1x768xf32> to vector<16x768xf32>
      %mul3A_152 = arith.mulf %concatenate3A_147, %mul3A_151 : vector<16x768xf32>
      %add3A_153 = arith.addf %concatenate3A_143, %mul3A_152 : vector<16x768xf32>
      %broadcast_in_dim3A_154 = vector.shape_cast %add3A_153 : vector<16x768xf32> to vector<16x1x768xf32>
      %mul3A_155 = vector.broadcast %broadcast_in_dim3A_154 : vector<16x1x768xf32> to vector<16x16x768xf32>
      %mul3A_156 = arith.mulf %mul3A_76, %mul3A_155 : vector<16x16x768xf32>
      %add3A_157 = arith.addf %add3A_75, %mul3A_156 : vector<16x16x768xf32>
      %reshape3A_158 = vector.shape_cast %add3A_157 : vector<16x16x768xf32> to vector<256x768xf32>
      %slice3A_159 = vector.extract_strided_slice %reshape3A_158 {offsets = [255, 0], sizes = [1, 768], strides = [1, 1]} : vector<256x768xf32> to vector<1x768xf32>
      %swap3A = arith.constant 0 : index
      %swap3A_160 = arith.constant 0 : index
      %swap3A_161 = vector.load %arg13[%swap3A, %swap3A_160] : memref<1x768xf32, #tpu.memory_space<vmem>>, vector<1x768xf32>
      tpu.vector_store %arg13[%swap3A, %swap3A_160], %slice3A_159 {strides = array<i32>} : memref<1x768xf32, #tpu.memory_space<vmem>>, vector<1x768xf32>,
      %get3A_162 = arith.constant 0 : index
      %get3A_163 = arith.constant 0 : index
      %get3A_164 = vector.load %arg6[%get3A_162, %get3A_163] : memref<768x768xf32, #tpu.memory_space<vmem>>, vector<768x768xf32>
      %dot_general3A_165 = arith.constant dense<0.000000e+00> : vector<256x768xf32>
      %dot_general3A_166 = tpu.matmul %reshape3A_158, %get3A_164, %dot_general3A_165 {dimension_numbers = #tpu.dot_dimension_numbers<[1], [0], [0], [1], [0, 0, 1, 1], [], []>, transpose_lhs_hint = false} : vector<256x768xf32>, vector<768x768xf32>, vector<256x768xf32> -> vector<256x768xf32>
      %add3A_167 = arith.addf %get3A_9, %dot_general3A_166 : vector<256x768xf32>
      %get3A_168 = arith.constant 0 : index
      %get3A_169 = arith.constant 0 : index
      %get3A_170 = vector.load %arg7[%get3A_168, %get3A_169] : memref<1x768xf32, #tpu.memory_space<vmem>>, vector<1x768xf32>
      %add3A_171 = vector.broadcast %get3A_170 : vector<1x768xf32> to vector<256x768xf32>
      %add3A_172 = arith.addf %add3A_167, %add3A_171 : vector<256x768xf32>
      %swap3A_173 = arith.constant 0 : index
      %swap3A_174 = arith.constant 0 : index
      %swap3A_175 = arith.constant 0 : index
      %swap3A_176 = vector.load %arg10[%swap3A_173, %swap3A_174, %swap3A_175] : memref<1x256x768xf32, #tpu.memory_space<vmem>>, vector<1x256x768xf32>
      %swap3A_177 = vector.shape_cast %swap3A_176 : vector<1x256x768xf32> to vector<256x768xf32>
      %swap3A_178 = vector.shape_cast %add3A_172 : vector<256x768xf32> to vector<1x256x768xf32>
      tpu.vector_store %arg10[%swap3A_173, %swap3A_174, %swap3A_175], %swap3A_178 {strides = array<i32>} : memref<1x256x768xf32, #tpu.memory_space<vmem>>, vector<1x256x768xf32>,
      %get3A_179 = arith.constant 0 : index
      %get3A_180 = arith.constant 0 : index
      %get3A_181 = vector.load %arg8[%get3A_179, %get3A_180] : memref<768x16xf32, #tpu.memory_space<vmem>>, vector<768x16xf32>
      %dot_general3A_182 = arith.constant dense<0.000000e+00> : vector<256x16xf32>
      %dot_general3A_183 = tpu.matmul %add3A_172, %get3A_181, %dot_general3A_182 {dimension_numbers = #tpu.dot_dimension_numbers<[1], [0], [0], [1], [0, 0, 1, 1], [], []>, transpose_lhs_hint = false} : vector<256x768xf32>, vector<768x16xf32>, vector<256x16xf32> -> vector<256x16xf32>
      %get3A_184 = arith.constant 0 : index
      %get3A_185 = arith.constant 0 : index
      %get3A_186 = vector.load %arg9[%get3A_184, %get3A_185] : memref<1x16xf32, #tpu.memory_space<vmem>>, vector<1x16xf32>
      %add3A_187 = vector.broadcast %get3A_186 : vector<1x16xf32> to vector<256x16xf32>
      %add3A_188 = arith.addf %dot_general3A_183, %add3A_187 : vector<256x16xf32>
      %reduce_max3A = arith.constant dense<0xFF800000> : vector<256xf32>
      %reduce_max3A_189 = vector.multi_reduction <maximumf>, %add3A_188, %reduce_max3A [1] : vector<256x16xf32> to vector<256xf32>
      %broadcast_in_dim3A_190 = vector.shape_cast %reduce_max3A_189 : vector<256xf32> to vector<256x1xf32>
      %iota3A = tpu.iota {dimensions = array<i32: 1>} : vector<256x16xi32>
      %eq3A_191 = vector.broadcast %broadcast_in_dim3A_190 : vector<256x1xf32> to vector<256x16xf32>
      %eq3A_192 = arith.cmpf oeq, %add3A_188, %eq3A_191 : vector<256x16xf32>
      %jit3A_193 = arith.constant 16 : i32
      %broadcast_in_dim3A_194 = vector.broadcast %jit3A_193 : i32 to vector<256x16xi32>
      %select_n3A_195 = arith.select %eq3A_192, %iota3A, %broadcast_in_dim3A_194 : vector<256x16xi1>, vector<256x16xi32>
      %reduce_min3A = arith.constant dense<2147483647> : vector<256xi32>
      %reduce_min3A_196 = vector.multi_reduction <minsi>, %select_n3A_195, %reduce_min3A [1] : vector<256x16xi32> to vector<256xi32>
      %broadcast_in_dim3A_197 = vector.shape_cast %reduce_min3A_196 : vector<256xi32> to vector<256x1xi32>
      %eq3A_198 = vector.broadcast %broadcast_in_dim3A_197 : vector<256x1xi32> to vector<256x16xi32>
      %eq3A_199 = arith.cmpi eq, %eq3A_198, %iota3A : vector<256x16xi32>
      %convert_element_type3A_200 = arith.extui %eq3A_199 : vector<256x16xi1> to vector<256x16xi32>
      %convert_element_type3A_201 = arith.sitofp %convert_element_type3A_200 : vector<256x16xi32> to vector<256x16xf32>
      %iota3A_202 = tpu.iota {dimensions = array<i32: 0>} : vector<256x256xi32>
      %iota3A_203 = tpu.iota {dimensions = array<i32: 1>} : vector<256x256xi32>
      %lt3A_204 = arith.cmpi slt, %iota3A_203, %iota3A_202 : vector<256x256xi32>
      %convert_element_type3A_205 = arith.extui %lt3A_204 : vector<256x256xi1> to vector<256x256xi32>
      %convert_element_type3A_206 = arith.sitofp %convert_element_type3A_205 : vector<256x256xi32> to vector<256x256xf32>
      %dot_general3A_207 = arith.constant dense<0.000000e+00> : vector<256x16xf32>
      %dot_general3A_208 = tpu.matmul %convert_element_type3A_206, %convert_element_type3A_201, %dot_general3A_207 {dimension_numbers = #tpu.dot_dimension_numbers<[1], [0], [0], [1], [0, 0, 1, 1], [], []>, transpose_lhs_hint = false} : vector<256x256xf32>, vector<256x16xf32>, vector<256x16xf32> -> vector<256x16xf32>
      %mul3A_209 = arith.mulf %convert_element_type3A_201, %dot_general3A_208 : vector<256x16xf32>
      %reduce_sum3A = arith.constant dense<0.000000e+00> : vector<256xf32>
      %reduce_sum3A_210 = vector.multi_reduction <add>, %mul3A_209, %reduce_sum3A [1] : vector<256x16xf32> to vector<256xf32>
      %broadcast_in_dim3A_211 = vector.shape_cast %reduce_sum3A_210 : vector<256xf32> to vector<256x1xf32>
      %mul3A_212 = arith.constant 256 : i32
      %mul3A_213 = arith.muli %arg0, %mul3A_212 : i32
      %multiple_of3A = tpu.assume_multiple %mul3A_213, 256 : i32
      %swap3A_214 = arith.index_cast %multiple_of3A : i32 to index
      %swap3A_215 = arith.constant 0 : index
      %swap3A_216 = vector.load %arg14[%swap3A_214, %swap3A_215] : memref<4096x1xi32, #tpu.memory_space<vmem>>, vector<256x1xi32>
      tpu.vector_store %arg14[%swap3A_214, %swap3A_215], %broadcast_in_dim3A_197 {strides = array<i32>} : memref<4096x1xi32, #tpu.memory_space<vmem>>, vector<256x1xi32>,
      %swap3A_217 = arith.index_cast %multiple_of3A : i32 to index
      %swap3A_218 = arith.constant 0 : index
      %swap3A_219 = vector.load %arg15[%swap3A_217, %swap3A_218] : memref<4096x1xf32, #tpu.memory_space<vmem>>, vector<256x1xf32>
      tpu.vector_store %arg15[%swap3A_217, %swap3A_218], %broadcast_in_dim3A_211 {strides = array<i32>} : memref<4096x1xf32, #tpu.memory_space<vmem>>, vector<256x1xf32>,
      %reduce_sum3A_220 = arith.constant dense<0.000000e+00> : vector<16xf32>
      %reduce_sum3A_221 = vector.multi_reduction <add>, %convert_element_type3A_201, %reduce_sum3A_220 [0] : vector<256x16xf32> to vector<16xf32>
      %broadcast_in_dim3A_222 = vector.shape_cast %reduce_sum3A_221 : vector<16xf32> to vector<1x16xf32>
      %swap3A_223 = arith.index_cast %arg0 : i32 to index
      %swap3A_224 = arith.constant 0 : index
      %swap3A_225 = vector.load %arg16[%swap3A_223, %swap3A_224] : memref<16x16xf32, #tpu.memory_space<vmem>>, vector<1x16xf32>
      tpu.vector_store %arg16[%swap3A_223, %swap3A_224], %broadcast_in_dim3A_222 {strides = array<i32>} : memref<16x16xf32, #tpu.memory_space<vmem>>, vector<1x16xf32>,
    } else {
    }
    %eq3A = arith.constant 16 : i32
    %eq3A_2 = arith.cmpi eq, %arg0, %eq3A : i32
    %convert_element_type3A_3 = arith.extui %eq3A_2 : i1 to i32
    %cond3A_4 = arith.constant 0 : i32
    %cond3A_5 = arith.cmpi ne, %convert_element_type3A_3, %cond3A_4 : i32
    scf.if %cond3A_5 {
      %get3A = arith.constant 0 : index
      %get3A_6 = arith.constant 0 : index
      %get3A_7 = vector.load %arg16[%get3A, %get3A_6] : memref<16x16xf32, #tpu.memory_space<vmem>>, vector<16x16xf32>
      %reduce_sum3A = arith.constant dense<0.000000e+00> : vector<16xf32>
      %reduce_sum3A_8 = vector.multi_reduction <add>, %get3A_7, %reduce_sum3A [0] : vector<16x16xf32> to vector<16xf32>
      %broadcast_in_dim3A = vector.shape_cast %reduce_sum3A_8 : vector<16xf32> to vector<1x16xf32>
      %mul3A = arith.constant 3.125000e-03 : f32
      %mul3A_9 = vector.broadcast %mul3A : f32 to vector<1x16xf32>
      %mul3A_10 = arith.mulf %broadcast_in_dim3A, %mul3A_9 : vector<1x16xf32>
      %ceil3A = math.ceil %mul3A_10 : vector<1x16xf32>
      %mul3A_11 = arith.constant 3.200000e+02 : f32
      %mul3A_12 = vector.broadcast %mul3A_11 : f32 to vector<1x16xf32>
      %mul3A_13 = arith.mulf %ceil3A, %mul3A_12 : vector<1x16xf32>
      %iota3A = tpu.iota {dimensions = array<i32: 0>} : vector<16x16xi32>
      %iota3A_14 = tpu.iota {dimensions = array<i32: 1>} : vector<16x16xi32>
      %lt3A_15 = arith.cmpi slt, %iota3A, %iota3A_14 : vector<16x16xi32>
      %convert_element_type3A_16 = arith.extui %lt3A_15 : vector<16x16xi1> to vector<16x16xi32>
      %convert_element_type3A_17 = arith.sitofp %convert_element_type3A_16 : vector<16x16xi32> to vector<16x16xf32>
      %dot_general3A = arith.constant dense<0.000000e+00> : vector<1x16xf32>
      %dot_general3A_18 = tpu.matmul %mul3A_13, %convert_element_type3A_17, %dot_general3A {dimension_numbers = #tpu.dot_dimension_numbers<[1], [0], [0], [1], [0, 0, 1, 1], [], []>, transpose_lhs_hint = false} : vector<1x16xf32>, vector<16x16xf32>, vector<1x16xf32> -> vector<1x16xf32>
      %iota3A_19 = tpu.iota {dimensions = array<i32: 0>} : vector<16x16xi32>
      %iota3A_20 = tpu.iota {dimensions = array<i32: 1>} : vector<16x16xi32>
      %lt3A_21 = arith.cmpi slt, %iota3A_20, %iota3A_19 : vector<16x16xi32>
      %convert_element_type3A_22 = arith.extui %lt3A_21 : vector<16x16xi1> to vector<16x16xi32>
      %convert_element_type3A_23 = arith.sitofp %convert_element_type3A_22 : vector<16x16xi32> to vector<16x16xf32>
      %dot_general3A_24 = arith.constant dense<0.000000e+00> : vector<16x16xf32>
      %dot_general3A_25 = tpu.matmul %convert_element_type3A_23, %get3A_7, %dot_general3A_24 {dimension_numbers = #tpu.dot_dimension_numbers<[1], [0], [0], [1], [0, 0, 1, 1], [], []>, transpose_lhs_hint = false} : vector<16x16xf32>, vector<16x16xf32>, vector<16x16xf32> -> vector<16x16xf32>
      %add3A = vector.broadcast %dot_general3A_18 : vector<1x16xf32> to vector<16x16xf32>
      %add3A_26 = arith.addf %dot_general3A_25, %add3A : vector<16x16xf32>
      %iota3A_27 = tpu.iota {dimensions = array<i32: 1>} : vector<256x16xi32>
      %get3A_28 = arith.constant 0 : index
      %get3A_29 = arith.constant 0 : index
      %get3A_30 = vector.load %arg14[%get3A_28, %get3A_29] : memref<4096x1xi32, #tpu.memory_space<vmem>>, vector<256x1xi32>
      %eq3A_31 = vector.broadcast %get3A_30 : vector<256x1xi32> to vector<256x16xi32>
      %eq3A_32 = arith.cmpi eq, %eq3A_31, %iota3A_27 : vector<256x16xi32>
      %convert_element_type3A_33 = arith.extui %eq3A_32 : vector<256x16xi1> to vector<256x16xi32>
      %convert_element_type3A_34 = arith.sitofp %convert_element_type3A_33 : vector<256x16xi32> to vector<256x16xf32>
      %slice3A = vector.extract_strided_slice %add3A_26 {offsets = [0, 0], sizes = [1, 16], strides = [1, 1]} : vector<16x16xf32> to vector<1x16xf32>
      %mul3A_35 = vector.broadcast %slice3A : vector<1x16xf32> to vector<256x16xf32>
      %mul3A_36 = arith.mulf %convert_element_type3A_34, %mul3A_35 : vector<256x16xf32>
      %reduce_sum3A_37 = arith.constant dense<0.000000e+00> : vector<256xf32>
      %reduce_sum3A_38 = vector.multi_reduction <add>, %mul3A_36, %reduce_sum3A_37 [1] : vector<256x16xf32> to vector<256xf32>
      %broadcast_in_dim3A_39 = vector.shape_cast %reduce_sum3A_38 : vector<256xf32> to vector<256x1xf32>
      %get3A_40 = arith.constant 0 : index
      %get3A_41 = arith.constant 0 : index
      %get3A_42 = vector.load %arg15[%get3A_40, %get3A_41] : memref<4096x1xf32, #tpu.memory_space<vmem>>, vector<256x1xf32>
      %add3A_43 = arith.addf %broadcast_in_dim3A_39, %get3A_42 : vector<256x1xf32>
      %convert_element_type3A_44 = arith.fptosi %add3A_43 : vector<256x1xf32> to vector<256x1xi32>
      %swap3A = arith.constant 0 : index
      %swap3A_45 = arith.constant 0 : index
      %swap3A_46 = vector.load %arg11[%swap3A, %swap3A_45] : memref<4096x1xi32, #tpu.memory_space<vmem>>, vector<256x1xi32>
      tpu.vector_store %arg11[%swap3A, %swap3A_45], %convert_element_type3A_44 {strides = array<i32>} : memref<4096x1xi32, #tpu.memory_space<vmem>>, vector<256x1xi32>,
      %get3A_47 = arith.constant 256 : index
      %get3A_48 = arith.constant 0 : index
      %get3A_49 = vector.load %arg14[%get3A_47, %get3A_48] : memref<4096x1xi32, #tpu.memory_space<vmem>>, vector<256x1xi32>
      %eq3A_50 = vector.broadcast %get3A_49 : vector<256x1xi32> to vector<256x16xi32>
      %eq3A_51 = arith.cmpi eq, %eq3A_50, %iota3A_27 : vector<256x16xi32>
      %convert_element_type3A_52 = arith.extui %eq3A_51 : vector<256x16xi1> to vector<256x16xi32>
      %convert_element_type3A_53 = arith.sitofp %convert_element_type3A_52 : vector<256x16xi32> to vector<256x16xf32>
      %slice3A_54 = vector.extract_strided_slice %add3A_26 {offsets = [1, 0], sizes = [1, 16], strides = [1, 1]} : vector<16x16xf32> to vector<1x16xf32>
      %mul3A_55 = vector.broadcast %slice3A_54 : vector<1x16xf32> to vector<256x16xf32>
      %mul3A_56 = arith.mulf %convert_element_type3A_53, %mul3A_55 : vector<256x16xf32>
      %reduce_sum3A_57 = arith.constant dense<0.000000e+00> : vector<256xf32>
      %reduce_sum3A_58 = vector.multi_reduction <add>, %mul3A_56, %reduce_sum3A_57 [1] : vector<256x16xf32> to vector<256xf32>
      %broadcast_in_dim3A_59 = vector.shape_cast %reduce_sum3A_58 : vector<256xf32> to vector<256x1xf32>
      %get3A_60 = arith.constant 256 : index
      %get3A_61 = arith.constant 0 : index
      %get3A_62 = vector.load %arg15[%get3A_60, %get3A_61] : memref<4096x1xf32, #tpu.memory_space<vmem>>, vector<256x1xf32>
      %add3A_63 = arith.addf %broadcast_in_dim3A_59, %get3A_62 : vector<256x1xf32>
      %convert_element_type3A_64 = arith.fptosi %add3A_63 : vector<256x1xf32> to vector<256x1xi32>
      %swap3A_65 = arith.constant 256 : index
      %swap3A_66 = arith.constant 0 : index
      %swap3A_67 = vector.load %arg11[%swap3A_65, %swap3A_66] : memref<4096x1xi32, #tpu.memory_space<vmem>>, vector<256x1xi32>
      tpu.vector_store %arg11[%swap3A_65, %swap3A_66], %convert_element_type3A_64 {strides = array<i32>} : memref<4096x1xi32, #tpu.memory_space<vmem>>, vector<256x1xi32>,
      %get3A_68 = arith.constant 512 : index
      %get3A_69 = arith.constant 0 : index
      %get3A_70 = vector.load %arg14[%get3A_68, %get3A_69] : memref<4096x1xi32, #tpu.memory_space<vmem>>, vector<256x1xi32>
      %eq3A_71 = vector.broadcast %get3A_70 : vector<256x1xi32> to vector<256x16xi32>
      %eq3A_72 = arith.cmpi eq, %eq3A_71, %iota3A_27 : vector<256x16xi32>
      %convert_element_type3A_73 = arith.extui %eq3A_72 : vector<256x16xi1> to vector<256x16xi32>
      %convert_element_type3A_74 = arith.sitofp %convert_element_type3A_73 : vector<256x16xi32> to vector<256x16xf32>
      %slice3A_75 = vector.extract_strided_slice %add3A_26 {offsets = [2, 0], sizes = [1, 16], strides = [1, 1]} : vector<16x16xf32> to vector<1x16xf32>
      %mul3A_76 = vector.broadcast %slice3A_75 : vector<1x16xf32> to vector<256x16xf32>
      %mul3A_77 = arith.mulf %convert_element_type3A_74, %mul3A_76 : vector<256x16xf32>
      %reduce_sum3A_78 = arith.constant dense<0.000000e+00> : vector<256xf32>
      %reduce_sum3A_79 = vector.multi_reduction <add>, %mul3A_77, %reduce_sum3A_78 [1] : vector<256x16xf32> to vector<256xf32>
      %broadcast_in_dim3A_80 = vector.shape_cast %reduce_sum3A_79 : vector<256xf32> to vector<256x1xf32>
      %get3A_81 = arith.constant 512 : index
      %get3A_82 = arith.constant 0 : index
      %get3A_83 = vector.load %arg15[%get3A_81, %get3A_82] : memref<4096x1xf32, #tpu.memory_space<vmem>>, vector<256x1xf32>
      %add3A_84 = arith.addf %broadcast_in_dim3A_80, %get3A_83 : vector<256x1xf32>
      %convert_element_type3A_85 = arith.fptosi %add3A_84 : vector<256x1xf32> to vector<256x1xi32>
      %swap3A_86 = arith.constant 512 : index
      %swap3A_87 = arith.constant 0 : index
      %swap3A_88 = vector.load %arg11[%swap3A_86, %swap3A_87] : memref<4096x1xi32, #tpu.memory_space<vmem>>, vector<256x1xi32>
      tpu.vector_store %arg11[%swap3A_86, %swap3A_87], %convert_element_type3A_85 {strides = array<i32>} : memref<4096x1xi32, #tpu.memory_space<vmem>>, vector<256x1xi32>,
      %get3A_89 = arith.constant 768 : index
      %get3A_90 = arith.constant 0 : index
      %get3A_91 = vector.load %arg14[%get3A_89, %get3A_90] : memref<4096x1xi32, #tpu.memory_space<vmem>>, vector<256x1xi32>
      %eq3A_92 = vector.broadcast %get3A_91 : vector<256x1xi32> to vector<256x16xi32>
      %eq3A_93 = arith.cmpi eq, %eq3A_92, %iota3A_27 : vector<256x16xi32>
      %convert_element_type3A_94 = arith.extui %eq3A_93 : vector<256x16xi1> to vector<256x16xi32>
      %convert_element_type3A_95 = arith.sitofp %convert_element_type3A_94 : vector<256x16xi32> to vector<256x16xf32>
      %slice3A_96 = vector.extract_strided_slice %add3A_26 {offsets = [3, 0], sizes = [1, 16], strides = [1, 1]} : vector<16x16xf32> to vector<1x16xf32>
      %mul3A_97 = vector.broadcast %slice3A_96 : vector<1x16xf32> to vector<256x16xf32>
      %mul3A_98 = arith.mulf %convert_element_type3A_95, %mul3A_97 : vector<256x16xf32>
      %reduce_sum3A_99 = arith.constant dense<0.000000e+00> : vector<256xf32>
      %reduce_sum3A_100 = vector.multi_reduction <add>, %mul3A_98, %reduce_sum3A_99 [1] : vector<256x16xf32> to vector<256xf32>
      %broadcast_in_dim3A_101 = vector.shape_cast %reduce_sum3A_100 : vector<256xf32> to vector<256x1xf32>
      %get3A_102 = arith.constant 768 : index
      %get3A_103 = arith.constant 0 : index
      %get3A_104 = vector.load %arg15[%get3A_102, %get3A_103] : memref<4096x1xf32, #tpu.memory_space<vmem>>, vector<256x1xf32>
      %add3A_105 = arith.addf %broadcast_in_dim3A_101, %get3A_104 : vector<256x1xf32>
      %convert_element_type3A_106 = arith.fptosi %add3A_105 : vector<256x1xf32> to vector<256x1xi32>
      %swap3A_107 = arith.constant 768 : index
      %swap3A_108 = arith.constant 0 : index
      %swap3A_109 = vector.load %arg11[%swap3A_107, %swap3A_108] : memref<4096x1xi32, #tpu.memory_space<vmem>>, vector<256x1xi32>
      tpu.vector_store %arg11[%swap3A_107, %swap3A_108], %convert_element_type3A_106 {strides = array<i32>} : memref<4096x1xi32, #tpu.memory_space<vmem>>, vector<256x1xi32>,
      %get3A_110 = arith.constant 1024 : index
      %get3A_111 = arith.constant 0 : index
      %get3A_112 = vector.load %arg14[%get3A_110, %get3A_111] : memref<4096x1xi32, #tpu.memory_space<vmem>>, vector<256x1xi32>
      %eq3A_113 = vector.broadcast %get3A_112 : vector<256x1xi32> to vector<256x16xi32>
      %eq3A_114 = arith.cmpi eq, %eq3A_113, %iota3A_27 : vector<256x16xi32>
      %convert_element_type3A_115 = arith.extui %eq3A_114 : vector<256x16xi1> to vector<256x16xi32>
      %convert_element_type3A_116 = arith.sitofp %convert_element_type3A_115 : vector<256x16xi32> to vector<256x16xf32>
      %slice3A_117 = vector.extract_strided_slice %add3A_26 {offsets = [4, 0], sizes = [1, 16], strides = [1, 1]} : vector<16x16xf32> to vector<1x16xf32>
      %mul3A_118 = vector.broadcast %slice3A_117 : vector<1x16xf32> to vector<256x16xf32>
      %mul3A_119 = arith.mulf %convert_element_type3A_116, %mul3A_118 : vector<256x16xf32>
      %reduce_sum3A_120 = arith.constant dense<0.000000e+00> : vector<256xf32>
      %reduce_sum3A_121 = vector.multi_reduction <add>, %mul3A_119, %reduce_sum3A_120 [1] : vector<256x16xf32> to vector<256xf32>
      %broadcast_in_dim3A_122 = vector.shape_cast %reduce_sum3A_121 : vector<256xf32> to vector<256x1xf32>
      %get3A_123 = arith.constant 1024 : index
      %get3A_124 = arith.constant 0 : index
      %get3A_125 = vector.load %arg15[%get3A_123, %get3A_124] : memref<4096x1xf32, #tpu.memory_space<vmem>>, vector<256x1xf32>
      %add3A_126 = arith.addf %broadcast_in_dim3A_122, %get3A_125 : vector<256x1xf32>
      %convert_element_type3A_127 = arith.fptosi %add3A_126 : vector<256x1xf32> to vector<256x1xi32>
      %swap3A_128 = arith.constant 1024 : index
      %swap3A_129 = arith.constant 0 : index
      %swap3A_130 = vector.load %arg11[%swap3A_128, %swap3A_129] : memref<4096x1xi32, #tpu.memory_space<vmem>>, vector<256x1xi32>
      tpu.vector_store %arg11[%swap3A_128, %swap3A_129], %convert_element_type3A_127 {strides = array<i32>} : memref<4096x1xi32, #tpu.memory_space<vmem>>, vector<256x1xi32>,
      %get3A_131 = arith.constant 1280 : index
      %get3A_132 = arith.constant 0 : index
      %get3A_133 = vector.load %arg14[%get3A_131, %get3A_132] : memref<4096x1xi32, #tpu.memory_space<vmem>>, vector<256x1xi32>
      %eq3A_134 = vector.broadcast %get3A_133 : vector<256x1xi32> to vector<256x16xi32>
      %eq3A_135 = arith.cmpi eq, %eq3A_134, %iota3A_27 : vector<256x16xi32>
      %convert_element_type3A_136 = arith.extui %eq3A_135 : vector<256x16xi1> to vector<256x16xi32>
      %convert_element_type3A_137 = arith.sitofp %convert_element_type3A_136 : vector<256x16xi32> to vector<256x16xf32>
      %slice3A_138 = vector.extract_strided_slice %add3A_26 {offsets = [5, 0], sizes = [1, 16], strides = [1, 1]} : vector<16x16xf32> to vector<1x16xf32>
      %mul3A_139 = vector.broadcast %slice3A_138 : vector<1x16xf32> to vector<256x16xf32>
      %mul3A_140 = arith.mulf %convert_element_type3A_137, %mul3A_139 : vector<256x16xf32>
      %reduce_sum3A_141 = arith.constant dense<0.000000e+00> : vector<256xf32>
      %reduce_sum3A_142 = vector.multi_reduction <add>, %mul3A_140, %reduce_sum3A_141 [1] : vector<256x16xf32> to vector<256xf32>
      %broadcast_in_dim3A_143 = vector.shape_cast %reduce_sum3A_142 : vector<256xf32> to vector<256x1xf32>
      %get3A_144 = arith.constant 1280 : index
      %get3A_145 = arith.constant 0 : index
      %get3A_146 = vector.load %arg15[%get3A_144, %get3A_145] : memref<4096x1xf32, #tpu.memory_space<vmem>>, vector<256x1xf32>
      %add3A_147 = arith.addf %broadcast_in_dim3A_143, %get3A_146 : vector<256x1xf32>
      %convert_element_type3A_148 = arith.fptosi %add3A_147 : vector<256x1xf32> to vector<256x1xi32>
      %swap3A_149 = arith.constant 1280 : index
      %swap3A_150 = arith.constant 0 : index
      %swap3A_151 = vector.load %arg11[%swap3A_149, %swap3A_150] : memref<4096x1xi32, #tpu.memory_space<vmem>>, vector<256x1xi32>
      tpu.vector_store %arg11[%swap3A_149, %swap3A_150], %convert_element_type3A_148 {strides = array<i32>} : memref<4096x1xi32, #tpu.memory_space<vmem>>, vector<256x1xi32>,
      %get3A_152 = arith.constant 1536 : index
      %get3A_153 = arith.constant 0 : index
      %get3A_154 = vector.load %arg14[%get3A_152, %get3A_153] : memref<4096x1xi32, #tpu.memory_space<vmem>>, vector<256x1xi32>
      %eq3A_155 = vector.broadcast %get3A_154 : vector<256x1xi32> to vector<256x16xi32>
      %eq3A_156 = arith.cmpi eq, %eq3A_155, %iota3A_27 : vector<256x16xi32>
      %convert_element_type3A_157 = arith.extui %eq3A_156 : vector<256x16xi1> to vector<256x16xi32>
      %convert_element_type3A_158 = arith.sitofp %convert_element_type3A_157 : vector<256x16xi32> to vector<256x16xf32>
      %slice3A_159 = vector.extract_strided_slice %add3A_26 {offsets = [6, 0], sizes = [1, 16], strides = [1, 1]} : vector<16x16xf32> to vector<1x16xf32>
      %mul3A_160 = vector.broadcast %slice3A_159 : vector<1x16xf32> to vector<256x16xf32>
      %mul3A_161 = arith.mulf %convert_element_type3A_158, %mul3A_160 : vector<256x16xf32>
      %reduce_sum3A_162 = arith.constant dense<0.000000e+00> : vector<256xf32>
      %reduce_sum3A_163 = vector.multi_reduction <add>, %mul3A_161, %reduce_sum3A_162 [1] : vector<256x16xf32> to vector<256xf32>
      %broadcast_in_dim3A_164 = vector.shape_cast %reduce_sum3A_163 : vector<256xf32> to vector<256x1xf32>
      %get3A_165 = arith.constant 1536 : index
      %get3A_166 = arith.constant 0 : index
      %get3A_167 = vector.load %arg15[%get3A_165, %get3A_166] : memref<4096x1xf32, #tpu.memory_space<vmem>>, vector<256x1xf32>
      %add3A_168 = arith.addf %broadcast_in_dim3A_164, %get3A_167 : vector<256x1xf32>
      %convert_element_type3A_169 = arith.fptosi %add3A_168 : vector<256x1xf32> to vector<256x1xi32>
      %swap3A_170 = arith.constant 1536 : index
      %swap3A_171 = arith.constant 0 : index
      %swap3A_172 = vector.load %arg11[%swap3A_170, %swap3A_171] : memref<4096x1xi32, #tpu.memory_space<vmem>>, vector<256x1xi32>
      tpu.vector_store %arg11[%swap3A_170, %swap3A_171], %convert_element_type3A_169 {strides = array<i32>} : memref<4096x1xi32, #tpu.memory_space<vmem>>, vector<256x1xi32>,
      %get3A_173 = arith.constant 1792 : index
      %get3A_174 = arith.constant 0 : index
      %get3A_175 = vector.load %arg14[%get3A_173, %get3A_174] : memref<4096x1xi32, #tpu.memory_space<vmem>>, vector<256x1xi32>
      %eq3A_176 = vector.broadcast %get3A_175 : vector<256x1xi32> to vector<256x16xi32>
      %eq3A_177 = arith.cmpi eq, %eq3A_176, %iota3A_27 : vector<256x16xi32>
      %convert_element_type3A_178 = arith.extui %eq3A_177 : vector<256x16xi1> to vector<256x16xi32>
      %convert_element_type3A_179 = arith.sitofp %convert_element_type3A_178 : vector<256x16xi32> to vector<256x16xf32>
      %slice3A_180 = vector.extract_strided_slice %add3A_26 {offsets = [7, 0], sizes = [1, 16], strides = [1, 1]} : vector<16x16xf32> to vector<1x16xf32>
      %mul3A_181 = vector.broadcast %slice3A_180 : vector<1x16xf32> to vector<256x16xf32>
      %mul3A_182 = arith.mulf %convert_element_type3A_179, %mul3A_181 : vector<256x16xf32>
      %reduce_sum3A_183 = arith.constant dense<0.000000e+00> : vector<256xf32>
      %reduce_sum3A_184 = vector.multi_reduction <add>, %mul3A_182, %reduce_sum3A_183 [1] : vector<256x16xf32> to vector<256xf32>
      %broadcast_in_dim3A_185 = vector.shape_cast %reduce_sum3A_184 : vector<256xf32> to vector<256x1xf32>
      %get3A_186 = arith.constant 1792 : index
      %get3A_187 = arith.constant 0 : index
      %get3A_188 = vector.load %arg15[%get3A_186, %get3A_187] : memref<4096x1xf32, #tpu.memory_space<vmem>>, vector<256x1xf32>
      %add3A_189 = arith.addf %broadcast_in_dim3A_185, %get3A_188 : vector<256x1xf32>
      %convert_element_type3A_190 = arith.fptosi %add3A_189 : vector<256x1xf32> to vector<256x1xi32>
      %swap3A_191 = arith.constant 1792 : index
      %swap3A_192 = arith.constant 0 : index
      %swap3A_193 = vector.load %arg11[%swap3A_191, %swap3A_192] : memref<4096x1xi32, #tpu.memory_space<vmem>>, vector<256x1xi32>
      tpu.vector_store %arg11[%swap3A_191, %swap3A_192], %convert_element_type3A_190 {strides = array<i32>} : memref<4096x1xi32, #tpu.memory_space<vmem>>, vector<256x1xi32>,
      %get3A_194 = arith.constant 2048 : index
      %get3A_195 = arith.constant 0 : index
      %get3A_196 = vector.load %arg14[%get3A_194, %get3A_195] : memref<4096x1xi32, #tpu.memory_space<vmem>>, vector<256x1xi32>
      %eq3A_197 = vector.broadcast %get3A_196 : vector<256x1xi32> to vector<256x16xi32>
      %eq3A_198 = arith.cmpi eq, %eq3A_197, %iota3A_27 : vector<256x16xi32>
      %convert_element_type3A_199 = arith.extui %eq3A_198 : vector<256x16xi1> to vector<256x16xi32>
      %convert_element_type3A_200 = arith.sitofp %convert_element_type3A_199 : vector<256x16xi32> to vector<256x16xf32>
      %slice3A_201 = vector.extract_strided_slice %add3A_26 {offsets = [8, 0], sizes = [1, 16], strides = [1, 1]} : vector<16x16xf32> to vector<1x16xf32>
      %mul3A_202 = vector.broadcast %slice3A_201 : vector<1x16xf32> to vector<256x16xf32>
      %mul3A_203 = arith.mulf %convert_element_type3A_200, %mul3A_202 : vector<256x16xf32>
      %reduce_sum3A_204 = arith.constant dense<0.000000e+00> : vector<256xf32>
      %reduce_sum3A_205 = vector.multi_reduction <add>, %mul3A_203, %reduce_sum3A_204 [1] : vector<256x16xf32> to vector<256xf32>
      %broadcast_in_dim3A_206 = vector.shape_cast %reduce_sum3A_205 : vector<256xf32> to vector<256x1xf32>
      %get3A_207 = arith.constant 2048 : index
      %get3A_208 = arith.constant 0 : index
      %get3A_209 = vector.load %arg15[%get3A_207, %get3A_208] : memref<4096x1xf32, #tpu.memory_space<vmem>>, vector<256x1xf32>
      %add3A_210 = arith.addf %broadcast_in_dim3A_206, %get3A_209 : vector<256x1xf32>
      %convert_element_type3A_211 = arith.fptosi %add3A_210 : vector<256x1xf32> to vector<256x1xi32>
      %swap3A_212 = arith.constant 2048 : index
      %swap3A_213 = arith.constant 0 : index
      %swap3A_214 = vector.load %arg11[%swap3A_212, %swap3A_213] : memref<4096x1xi32, #tpu.memory_space<vmem>>, vector<256x1xi32>
      tpu.vector_store %arg11[%swap3A_212, %swap3A_213], %convert_element_type3A_211 {strides = array<i32>} : memref<4096x1xi32, #tpu.memory_space<vmem>>, vector<256x1xi32>,
      %get3A_215 = arith.constant 2304 : index
      %get3A_216 = arith.constant 0 : index
      %get3A_217 = vector.load %arg14[%get3A_215, %get3A_216] : memref<4096x1xi32, #tpu.memory_space<vmem>>, vector<256x1xi32>
      %eq3A_218 = vector.broadcast %get3A_217 : vector<256x1xi32> to vector<256x16xi32>
      %eq3A_219 = arith.cmpi eq, %eq3A_218, %iota3A_27 : vector<256x16xi32>
      %convert_element_type3A_220 = arith.extui %eq3A_219 : vector<256x16xi1> to vector<256x16xi32>
      %convert_element_type3A_221 = arith.sitofp %convert_element_type3A_220 : vector<256x16xi32> to vector<256x16xf32>
      %slice3A_222 = vector.extract_strided_slice %add3A_26 {offsets = [9, 0], sizes = [1, 16], strides = [1, 1]} : vector<16x16xf32> to vector<1x16xf32>
      %mul3A_223 = vector.broadcast %slice3A_222 : vector<1x16xf32> to vector<256x16xf32>
      %mul3A_224 = arith.mulf %convert_element_type3A_221, %mul3A_223 : vector<256x16xf32>
      %reduce_sum3A_225 = arith.constant dense<0.000000e+00> : vector<256xf32>
      %reduce_sum3A_226 = vector.multi_reduction <add>, %mul3A_224, %reduce_sum3A_225 [1] : vector<256x16xf32> to vector<256xf32>
      %broadcast_in_dim3A_227 = vector.shape_cast %reduce_sum3A_226 : vector<256xf32> to vector<256x1xf32>
      %get3A_228 = arith.constant 2304 : index
      %get3A_229 = arith.constant 0 : index
      %get3A_230 = vector.load %arg15[%get3A_228, %get3A_229] : memref<4096x1xf32, #tpu.memory_space<vmem>>, vector<256x1xf32>
      %add3A_231 = arith.addf %broadcast_in_dim3A_227, %get3A_230 : vector<256x1xf32>
      %convert_element_type3A_232 = arith.fptosi %add3A_231 : vector<256x1xf32> to vector<256x1xi32>
      %swap3A_233 = arith.constant 2304 : index
      %swap3A_234 = arith.constant 0 : index
      %swap3A_235 = vector.load %arg11[%swap3A_233, %swap3A_234] : memref<4096x1xi32, #tpu.memory_space<vmem>>, vector<256x1xi32>
      tpu.vector_store %arg11[%swap3A_233, %swap3A_234], %convert_element_type3A_232 {strides = array<i32>} : memref<4096x1xi32, #tpu.memory_space<vmem>>, vector<256x1xi32>,
      %get3A_236 = arith.constant 2560 : index
      %get3A_237 = arith.constant 0 : index
      %get3A_238 = vector.load %arg14[%get3A_236, %get3A_237] : memref<4096x1xi32, #tpu.memory_space<vmem>>, vector<256x1xi32>
      %eq3A_239 = vector.broadcast %get3A_238 : vector<256x1xi32> to vector<256x16xi32>
      %eq3A_240 = arith.cmpi eq, %eq3A_239, %iota3A_27 : vector<256x16xi32>
      %convert_element_type3A_241 = arith.extui %eq3A_240 : vector<256x16xi1> to vector<256x16xi32>
      %convert_element_type3A_242 = arith.sitofp %convert_element_type3A_241 : vector<256x16xi32> to vector<256x16xf32>
      %slice3A_243 = vector.extract_strided_slice %add3A_26 {offsets = [10, 0], sizes = [1, 16], strides = [1, 1]} : vector<16x16xf32> to vector<1x16xf32>
      %mul3A_244 = vector.broadcast %slice3A_243 : vector<1x16xf32> to vector<256x16xf32>
      %mul3A_245 = arith.mulf %convert_element_type3A_242, %mul3A_244 : vector<256x16xf32>
      %reduce_sum3A_246 = arith.constant dense<0.000000e+00> : vector<256xf32>
      %reduce_sum3A_247 = vector.multi_reduction <add>, %mul3A_245, %reduce_sum3A_246 [1] : vector<256x16xf32> to vector<256xf32>
      %broadcast_in_dim3A_248 = vector.shape_cast %reduce_sum3A_247 : vector<256xf32> to vector<256x1xf32>
      %get3A_249 = arith.constant 2560 : index
      %get3A_250 = arith.constant 0 : index
      %get3A_251 = vector.load %arg15[%get3A_249, %get3A_250] : memref<4096x1xf32, #tpu.memory_space<vmem>>, vector<256x1xf32>
      %add3A_252 = arith.addf %broadcast_in_dim3A_248, %get3A_251 : vector<256x1xf32>
      %convert_element_type3A_253 = arith.fptosi %add3A_252 : vector<256x1xf32> to vector<256x1xi32>
      %swap3A_254 = arith.constant 2560 : index
      %swap3A_255 = arith.constant 0 : index
      %swap3A_256 = vector.load %arg11[%swap3A_254, %swap3A_255] : memref<4096x1xi32, #tpu.memory_space<vmem>>, vector<256x1xi32>
      tpu.vector_store %arg11[%swap3A_254, %swap3A_255], %convert_element_type3A_253 {strides = array<i32>} : memref<4096x1xi32, #tpu.memory_space<vmem>>, vector<256x1xi32>,
      %get3A_257 = arith.constant 2816 : index
      %get3A_258 = arith.constant 0 : index
      %get3A_259 = vector.load %arg14[%get3A_257, %get3A_258] : memref<4096x1xi32, #tpu.memory_space<vmem>>, vector<256x1xi32>
      %eq3A_260 = vector.broadcast %get3A_259 : vector<256x1xi32> to vector<256x16xi32>
      %eq3A_261 = arith.cmpi eq, %eq3A_260, %iota3A_27 : vector<256x16xi32>
      %convert_element_type3A_262 = arith.extui %eq3A_261 : vector<256x16xi1> to vector<256x16xi32>
      %convert_element_type3A_263 = arith.sitofp %convert_element_type3A_262 : vector<256x16xi32> to vector<256x16xf32>
      %slice3A_264 = vector.extract_strided_slice %add3A_26 {offsets = [11, 0], sizes = [1, 16], strides = [1, 1]} : vector<16x16xf32> to vector<1x16xf32>
      %mul3A_265 = vector.broadcast %slice3A_264 : vector<1x16xf32> to vector<256x16xf32>
      %mul3A_266 = arith.mulf %convert_element_type3A_263, %mul3A_265 : vector<256x16xf32>
      %reduce_sum3A_267 = arith.constant dense<0.000000e+00> : vector<256xf32>
      %reduce_sum3A_268 = vector.multi_reduction <add>, %mul3A_266, %reduce_sum3A_267 [1] : vector<256x16xf32> to vector<256xf32>
      %broadcast_in_dim3A_269 = vector.shape_cast %reduce_sum3A_268 : vector<256xf32> to vector<256x1xf32>
      %get3A_270 = arith.constant 2816 : index
      %get3A_271 = arith.constant 0 : index
      %get3A_272 = vector.load %arg15[%get3A_270, %get3A_271] : memref<4096x1xf32, #tpu.memory_space<vmem>>, vector<256x1xf32>
      %add3A_273 = arith.addf %broadcast_in_dim3A_269, %get3A_272 : vector<256x1xf32>
      %convert_element_type3A_274 = arith.fptosi %add3A_273 : vector<256x1xf32> to vector<256x1xi32>
      %swap3A_275 = arith.constant 2816 : index
      %swap3A_276 = arith.constant 0 : index
      %swap3A_277 = vector.load %arg11[%swap3A_275, %swap3A_276] : memref<4096x1xi32, #tpu.memory_space<vmem>>, vector<256x1xi32>
      tpu.vector_store %arg11[%swap3A_275, %swap3A_276], %convert_element_type3A_274 {strides = array<i32>} : memref<4096x1xi32, #tpu.memory_space<vmem>>, vector<256x1xi32>,
      %get3A_278 = arith.constant 3072 : index
      %get3A_279 = arith.constant 0 : index
      %get3A_280 = vector.load %arg14[%get3A_278, %get3A_279] : memref<4096x1xi32, #tpu.memory_space<vmem>>, vector<256x1xi32>
      %eq3A_281 = vector.broadcast %get3A_280 : vector<256x1xi32> to vector<256x16xi32>
      %eq3A_282 = arith.cmpi eq, %eq3A_281, %iota3A_27 : vector<256x16xi32>
      %convert_element_type3A_283 = arith.extui %eq3A_282 : vector<256x16xi1> to vector<256x16xi32>
      %convert_element_type3A_284 = arith.sitofp %convert_element_type3A_283 : vector<256x16xi32> to vector<256x16xf32>
      %slice3A_285 = vector.extract_strided_slice %add3A_26 {offsets = [12, 0], sizes = [1, 16], strides = [1, 1]} : vector<16x16xf32> to vector<1x16xf32>
      %mul3A_286 = vector.broadcast %slice3A_285 : vector<1x16xf32> to vector<256x16xf32>
      %mul3A_287 = arith.mulf %convert_element_type3A_284, %mul3A_286 : vector<256x16xf32>
      %reduce_sum3A_288 = arith.constant dense<0.000000e+00> : vector<256xf32>
      %reduce_sum3A_289 = vector.multi_reduction <add>, %mul3A_287, %reduce_sum3A_288 [1] : vector<256x16xf32> to vector<256xf32>
      %broadcast_in_dim3A_290 = vector.shape_cast %reduce_sum3A_289 : vector<256xf32> to vector<256x1xf32>
      %get3A_291 = arith.constant 3072 : index
      %get3A_292 = arith.constant 0 : index
      %get3A_293 = vector.load %arg15[%get3A_291, %get3A_292] : memref<4096x1xf32, #tpu.memory_space<vmem>>, vector<256x1xf32>
      %add3A_294 = arith.addf %broadcast_in_dim3A_290, %get3A_293 : vector<256x1xf32>
      %convert_element_type3A_295 = arith.fptosi %add3A_294 : vector<256x1xf32> to vector<256x1xi32>
      %swap3A_296 = arith.constant 3072 : index
      %swap3A_297 = arith.constant 0 : index
      %swap3A_298 = vector.load %arg11[%swap3A_296, %swap3A_297] : memref<4096x1xi32, #tpu.memory_space<vmem>>, vector<256x1xi32>
      tpu.vector_store %arg11[%swap3A_296, %swap3A_297], %convert_element_type3A_295 {strides = array<i32>} : memref<4096x1xi32, #tpu.memory_space<vmem>>, vector<256x1xi32>,
      %get3A_299 = arith.constant 3328 : index
      %get3A_300 = arith.constant 0 : index
      %get3A_301 = vector.load %arg14[%get3A_299, %get3A_300] : memref<4096x1xi32, #tpu.memory_space<vmem>>, vector<256x1xi32>
      %eq3A_302 = vector.broadcast %get3A_301 : vector<256x1xi32> to vector<256x16xi32>
      %eq3A_303 = arith.cmpi eq, %eq3A_302, %iota3A_27 : vector<256x16xi32>
      %convert_element_type3A_304 = arith.extui %eq3A_303 : vector<256x16xi1> to vector<256x16xi32>
      %convert_element_type3A_305 = arith.sitofp %convert_element_type3A_304 : vector<256x16xi32> to vector<256x16xf32>
      %slice3A_306 = vector.extract_strided_slice %add3A_26 {offsets = [13, 0], sizes = [1, 16], strides = [1, 1]} : vector<16x16xf32> to vector<1x16xf32>
      %mul3A_307 = vector.broadcast %slice3A_306 : vector<1x16xf32> to vector<256x16xf32>
      %mul3A_308 = arith.mulf %convert_element_type3A_305, %mul3A_307 : vector<256x16xf32>
      %reduce_sum3A_309 = arith.constant dense<0.000000e+00> : vector<256xf32>
      %reduce_sum3A_310 = vector.multi_reduction <add>, %mul3A_308, %reduce_sum3A_309 [1] : vector<256x16xf32> to vector<256xf32>
      %broadcast_in_dim3A_311 = vector.shape_cast %reduce_sum3A_310 : vector<256xf32> to vector<256x1xf32>
      %get3A_312 = arith.constant 3328 : index
      %get3A_313 = arith.constant 0 : index
      %get3A_314 = vector.load %arg15[%get3A_312, %get3A_313] : memref<4096x1xf32, #tpu.memory_space<vmem>>, vector<256x1xf32>
      %add3A_315 = arith.addf %broadcast_in_dim3A_311, %get3A_314 : vector<256x1xf32>
      %convert_element_type3A_316 = arith.fptosi %add3A_315 : vector<256x1xf32> to vector<256x1xi32>
      %swap3A_317 = arith.constant 3328 : index
      %swap3A_318 = arith.constant 0 : index
      %swap3A_319 = vector.load %arg11[%swap3A_317, %swap3A_318] : memref<4096x1xi32, #tpu.memory_space<vmem>>, vector<256x1xi32>
      tpu.vector_store %arg11[%swap3A_317, %swap3A_318], %convert_element_type3A_316 {strides = array<i32>} : memref<4096x1xi32, #tpu.memory_space<vmem>>, vector<256x1xi32>,
      %get3A_320 = arith.constant 3584 : index
      %get3A_321 = arith.constant 0 : index
      %get3A_322 = vector.load %arg14[%get3A_320, %get3A_321] : memref<4096x1xi32, #tpu.memory_space<vmem>>, vector<256x1xi32>
      %eq3A_323 = vector.broadcast %get3A_322 : vector<256x1xi32> to vector<256x16xi32>
      %eq3A_324 = arith.cmpi eq, %eq3A_323, %iota3A_27 : vector<256x16xi32>
      %convert_element_type3A_325 = arith.extui %eq3A_324 : vector<256x16xi1> to vector<256x16xi32>
      %convert_element_type3A_326 = arith.sitofp %convert_element_type3A_325 : vector<256x16xi32> to vector<256x16xf32>
      %slice3A_327 = vector.extract_strided_slice %add3A_26 {offsets = [14, 0], sizes = [1, 16], strides = [1, 1]} : vector<16x16xf32> to vector<1x16xf32>
      %mul3A_328 = vector.broadcast %slice3A_327 : vector<1x16xf32> to vector<256x16xf32>
      %mul3A_329 = arith.mulf %convert_element_type3A_326, %mul3A_328 : vector<256x16xf32>
      %reduce_sum3A_330 = arith.constant dense<0.000000e+00> : vector<256xf32>
      %reduce_sum3A_331 = vector.multi_reduction <add>, %mul3A_329, %reduce_sum3A_330 [1] : vector<256x16xf32> to vector<256xf32>
      %broadcast_in_dim3A_332 = vector.shape_cast %reduce_sum3A_331 : vector<256xf32> to vector<256x1xf32>
      %get3A_333 = arith.constant 3584 : index
      %get3A_334 = arith.constant 0 : index
      %get3A_335 = vector.load %arg15[%get3A_333, %get3A_334] : memref<4096x1xf32, #tpu.memory_space<vmem>>, vector<256x1xf32>
      %add3A_336 = arith.addf %broadcast_in_dim3A_332, %get3A_335 : vector<256x1xf32>
      %convert_element_type3A_337 = arith.fptosi %add3A_336 : vector<256x1xf32> to vector<256x1xi32>
      %swap3A_338 = arith.constant 3584 : index
      %swap3A_339 = arith.constant 0 : index
      %swap3A_340 = vector.load %arg11[%swap3A_338, %swap3A_339] : memref<4096x1xi32, #tpu.memory_space<vmem>>, vector<256x1xi32>
      tpu.vector_store %arg11[%swap3A_338, %swap3A_339], %convert_element_type3A_337 {strides = array<i32>} : memref<4096x1xi32, #tpu.memory_space<vmem>>, vector<256x1xi32>,
      %get3A_341 = arith.constant 3840 : index
      %get3A_342 = arith.constant 0 : index
      %get3A_343 = vector.load %arg14[%get3A_341, %get3A_342] : memref<4096x1xi32, #tpu.memory_space<vmem>>, vector<256x1xi32>
      %eq3A_344 = vector.broadcast %get3A_343 : vector<256x1xi32> to vector<256x16xi32>
      %eq3A_345 = arith.cmpi eq, %eq3A_344, %iota3A_27 : vector<256x16xi32>
      %convert_element_type3A_346 = arith.extui %eq3A_345 : vector<256x16xi1> to vector<256x16xi32>
      %convert_element_type3A_347 = arith.sitofp %convert_element_type3A_346 : vector<256x16xi32> to vector<256x16xf32>
      %slice3A_348 = vector.extract_strided_slice %add3A_26 {offsets = [15, 0], sizes = [1, 16], strides = [1, 1]} : vector<16x16xf32> to vector<1x16xf32>
      %mul3A_349 = vector.broadcast %slice3A_348 : vector<1x16xf32> to vector<256x16xf32>
      %mul3A_350 = arith.mulf %convert_element_type3A_347, %mul3A_349 : vector<256x16xf32>
      %reduce_sum3A_351 = arith.constant dense<0.000000e+00> : vector<256xf32>
      %reduce_sum3A_352 = vector.multi_reduction <add>, %mul3A_350, %reduce_sum3A_351 [1] : vector<256x16xf32> to vector<256xf32>
      %broadcast_in_dim3A_353 = vector.shape_cast %reduce_sum3A_352 : vector<256xf32> to vector<256x1xf32>
      %get3A_354 = arith.constant 3840 : index
      %get3A_355 = arith.constant 0 : index
      %get3A_356 = vector.load %arg15[%get3A_354, %get3A_355] : memref<4096x1xf32, #tpu.memory_space<vmem>>, vector<256x1xf32>
      %add3A_357 = arith.addf %broadcast_in_dim3A_353, %get3A_356 : vector<256x1xf32>
      %convert_element_type3A_358 = arith.fptosi %add3A_357 : vector<256x1xf32> to vector<256x1xi32>
      %swap3A_359 = arith.constant 3840 : index
      %swap3A_360 = arith.constant 0 : index
      %swap3A_361 = vector.load %arg11[%swap3A_359, %swap3A_360] : memref<4096x1xi32, #tpu.memory_space<vmem>>, vector<256x1xi32>
      tpu.vector_store %arg11[%swap3A_359, %swap3A_360], %convert_element_type3A_358 {strides = array<i32>} : memref<4096x1xi32, #tpu.memory_space<vmem>>, vector<256x1xi32>,
      %add3A_362 = arith.addf %dot_general3A_18, %mul3A_13 : vector<1x16xf32>
      %mul3A_363 = arith.constant 3.125000e-03 : f32
      %mul3A_364 = vector.broadcast %mul3A_363 : f32 to vector<1x16xf32>
      %mul3A_365 = arith.mulf %add3A_362, %mul3A_364 : vector<1x16xf32>
      %iota3A_366 = tpu.iota {dimensions = array<i32: 0>} : vector<128x16xi32>
      %convert_element_type3A_367 = arith.sitofp %iota3A_366 : vector<128x16xi32> to vector<128x16xf32>
      %ge3A = vector.broadcast %mul3A_365 : vector<1x16xf32> to vector<128x16xf32>
      %ge3A_368 = arith.cmpf oge, %convert_element_type3A_367, %ge3A : vector<128x16xf32>
      %convert_element_type3A_369 = arith.extui %ge3A_368 : vector<128x16xi1> to vector<128x16xi32>
      %convert_element_type3A_370 = arith.sitofp %convert_element_type3A_369 : vector<128x16xi32> to vector<128x16xf32>
      %reduce_sum3A_371 = arith.constant dense<0.000000e+00> : vector<128xf32>
      %reduce_sum3A_372 = vector.multi_reduction <add>, %convert_element_type3A_370, %reduce_sum3A_371 [1] : vector<128x16xf32> to vector<128xf32>
      %broadcast_in_dim3A_373 = vector.shape_cast %reduce_sum3A_372 : vector<128xf32> to vector<128x1xf32>
      %min3A = arith.constant 1.500000e+01 : f32
      %min3A_374 = vector.broadcast %min3A : f32 to vector<128x1xf32>
      %min3A_375 = arith.minimumf %broadcast_in_dim3A_373, %min3A_374 : vector<128x1xf32>
      %reduce_sum3A_376 = vector.shape_cast %mul3A_13 : vector<1x16xf32> to vector<1x1x16xf32>
      %reduce_sum3A_377 = arith.constant dense<0.000000e+00> : vector<1xf32>
      %reduce_sum3A_378 = vector.multi_reduction <add>, %reduce_sum3A_376, %reduce_sum3A_377 [1, 2] : vector<1x1x16xf32> to vector<1xf32>
      %reduce_sum3A_379 = vector.shape_cast %reduce_sum3A_378 : vector<1xf32> to vector<1x1x1xf32>
      %reduce_sum3A_380 = vector.extract %reduce_sum3A_379[0, 0, 0] : f32 from vector<1x1x1xf32>
      %mul3A_381 = arith.constant 3.125000e-03 : f32
      %mul3A_382 = arith.mulf %reduce_sum3A_380, %mul3A_381 : f32
      %broadcast_in_dim3A_383 = vector.broadcast %mul3A_382 : f32 to vector<128x1xf32>
      %concatenate3A = tpu.concatenate %min3A_375, %broadcast_in_dim3A_383 in 0 : vector<128x1xf32>, vector<128x1xf32> -> vector<256x1xf32>
      %swap3A_384 = arith.constant 0 : index
      %swap3A_385 = arith.constant 0 : index
      %swap3A_386 = vector.load %arg12[%swap3A_384, %swap3A_385] : memref<256x1xf32, #tpu.memory_space<vmem>>, vector<256x1xf32>
      tpu.vector_store %arg12[%swap3A_384, %swap3A_385], %concatenate3A {strides = array<i32>} : memref<256x1xf32, #tpu.memory_space<vmem>>, vector<256x1xf32>,
    } else {
    }
    return
  }
  func.func @transform_0(%arg0: i32) -> (i32, i32, i32) {
    %min3A = arith.constant 15 : i32
    %min3A_0 = arith.minsi %arg0, %min3A : i32
    %jit3A = arith.constant 8 : i32
    %div3A = arith.divsi %min3A_0, %jit3A : i32
    %sign3A = arith.constant 0 : i32
    %sign3A_1 = arith.cmpi sgt, %min3A_0, %sign3A : i32
    %sign3A_2 = arith.extui %sign3A_1 : i1 to i32
    %sign3A_3 = arith.constant 0 : i32
    %sign3A_4 = arith.cmpi slt, %min3A_0, %sign3A_3 : i32
    %sign3A_5 = arith.extui %sign3A_4 : i1 to i32
    %sign3A_6 = arith.subi %sign3A_2, %sign3A_5 : i32
    %sign3A_7 = arith.constant 0 : i32
    %sign3A_8 = arith.cmpi sgt, %jit3A, %sign3A_7 : i32
    %sign3A_9 = arith.extui %sign3A_8 : i1 to i32
    %sign3A_10 = arith.constant 0 : i32
    %sign3A_11 = arith.cmpi slt, %jit3A, %sign3A_10 : i32
    %sign3A_12 = arith.extui %sign3A_11 : i1 to i32
    %sign3A_13 = arith.subi %sign3A_9, %sign3A_12 : i32
    %ne3A = arith.cmpi ne, %sign3A_6, %sign3A_13 : i32
    %rem3A = arith.remsi %min3A_0, %jit3A : i32
    %ne3A_14 = arith.constant 0 : i32
    %ne3A_15 = arith.cmpi ne, %rem3A, %ne3A_14 : i32
    %and3A = arith.andi %ne3A, %ne3A_15 : i1
    %sub3A = arith.constant 1 : i32
    %sub3A_16 = arith.subi %div3A, %sub3A : i32
    %select_n3A = arith.select %and3A, %sub3A_16, %div3A : i32
    %jit3A_17 = arith.constant 8 : i32
    %eq3A = arith.constant 0 : i32
    %eq3A_18 = arith.cmpi eq, %jit3A_17, %eq3A : i32
    %jit3A_19 = arith.constant 1 : i32
    %select_n3A_20 = arith.select %eq3A_18, %jit3A_19, %jit3A_17 : i32
    %rem3A_21 = arith.remsi %min3A_0, %select_n3A_20 : i32
    %ne3A_22 = arith.constant 0 : i32
    %ne3A_23 = arith.cmpi ne, %rem3A_21, %ne3A_22 : i32
    %lt3A = arith.constant 0 : i32
    %lt3A_24 = arith.cmpi slt, %rem3A_21, %lt3A : i32
    %lt3A_25 = arith.constant 0 : i32
    %lt3A_26 = arith.cmpi slt, %select_n3A_20, %lt3A_25 : i32
    %ne3A_27 = arith.xori %lt3A_24, %lt3A_26 : i1
    %and3A_28 = arith.andi %ne3A_27, %ne3A_23 : i1
    %add3A = arith.addi %rem3A_21, %select_n3A_20 : i32
    %select_n3A_29 = arith.select %and3A_28, %add3A, %rem3A_21 : i32
    %c0_i32 = arith.constant 0 : i32
    %c0_i32_30 = arith.constant 0 : i32
    return %select_n3A, %select_n3A_29, %c0_i32 : i32, i32, i32
  }
  func.func @transform_1(%arg0: i32) -> (i32, i32) {
    %c0_i32 = arith.constant 0 : i32
    %c0_i32_0 = arith.constant 0 : i32
    %c0_i32_1 = arith.constant 0 : i32
    return %c0_i32, %c0_i32_0 : i32, i32
  }
  func.func @transform_2(%arg0: i32) -> (i32, i32) {
    %c0_i32 = arith.constant 0 : i32
    %c0_i32_0 = arith.constant 0 : i32
    %c0_i32_1 = arith.constant 0 : i32
    return %c0_i32, %c0_i32_0 : i32, i32
  }
  func.func @transform_3(%arg0: i32) -> (i32, i32) {
    %c0_i32 = arith.constant 0 : i32
    %c0_i32_0 = arith.constant 0 : i32
    %c0_i32_1 = arith.constant 0 : i32
    return %c0_i32, %c0_i32_0 : i32, i32
  }
  func.func @transform_4(%arg0: i32) -> (i32, i32) {
    %c0_i32 = arith.constant 0 : i32
    %c0_i32_0 = arith.constant 0 : i32
    %c0_i32_1 = arith.constant 0 : i32
    return %c0_i32, %c0_i32_0 : i32, i32
  }
  func.func @transform_5(%arg0: i32) -> (i32, i32) {
    %c0_i32 = arith.constant 0 : i32
    %c0_i32_0 = arith.constant 0 : i32
    %c0_i32_1 = arith.constant 0 : i32
    return %c0_i32, %c0_i32_0 : i32, i32
  }
  func.func @transform_6(%arg0: i32) -> (i32, i32) {
    %c0_i32 = arith.constant 0 : i32
    %c0_i32_0 = arith.constant 0 : i32
    %c0_i32_1 = arith.constant 0 : i32
    return %c0_i32, %c0_i32_0 : i32, i32
  }
  func.func @transform_7(%arg0: i32) -> (i32, i32) {
    %c0_i32 = arith.constant 0 : i32
    %c0_i32_0 = arith.constant 0 : i32
    %c0_i32_1 = arith.constant 0 : i32
    return %c0_i32, %c0_i32_0 : i32, i32
  }
  func.func @transform_8(%arg0: i32) -> (i32, i32) {
    %c0_i32 = arith.constant 0 : i32
    %c0_i32_0 = arith.constant 0 : i32
    %c0_i32_1 = arith.constant 0 : i32
    return %c0_i32, %c0_i32_0 : i32, i32
  }
  func.func @transform_9(%arg0: i32) -> (i32, i32, i32) {
    %min3A = arith.constant 15 : i32
    %min3A_0 = arith.minsi %arg0, %min3A : i32
    %jit3A = arith.constant 8 : i32
    %div3A = arith.divsi %min3A_0, %jit3A : i32
    %sign3A = arith.constant 0 : i32
    %sign3A_1 = arith.cmpi sgt, %min3A_0, %sign3A : i32
    %sign3A_2 = arith.extui %sign3A_1 : i1 to i32
    %sign3A_3 = arith.constant 0 : i32
    %sign3A_4 = arith.cmpi slt, %min3A_0, %sign3A_3 : i32
    %sign3A_5 = arith.extui %sign3A_4 : i1 to i32
    %sign3A_6 = arith.subi %sign3A_2, %sign3A_5 : i32
    %sign3A_7 = arith.constant 0 : i32
    %sign3A_8 = arith.cmpi sgt, %jit3A, %sign3A_7 : i32
    %sign3A_9 = arith.extui %sign3A_8 : i1 to i32
    %sign3A_10 = arith.constant 0 : i32
    %sign3A_11 = arith.cmpi slt, %jit3A, %sign3A_10 : i32
    %sign3A_12 = arith.extui %sign3A_11 : i1 to i32
    %sign3A_13 = arith.subi %sign3A_9, %sign3A_12 : i32
    %ne3A = arith.cmpi ne, %sign3A_6, %sign3A_13 : i32
    %rem3A = arith.remsi %min3A_0, %jit3A : i32
    %ne3A_14 = arith.constant 0 : i32
    %ne3A_15 = arith.cmpi ne, %rem3A, %ne3A_14 : i32
    %and3A = arith.andi %ne3A, %ne3A_15 : i1
    %sub3A = arith.constant 1 : i32
    %sub3A_16 = arith.subi %div3A, %sub3A : i32
    %select_n3A = arith.select %and3A, %sub3A_16, %div3A : i32
    %jit3A_17 = arith.constant 8 : i32
    %eq3A = arith.constant 0 : i32
    %eq3A_18 = arith.cmpi eq, %jit3A_17, %eq3A : i32
    %jit3A_19 = arith.constant 1 : i32
    %select_n3A_20 = arith.select %eq3A_18, %jit3A_19, %jit3A_17 : i32
    %rem3A_21 = arith.remsi %min3A_0, %select_n3A_20 : i32
    %ne3A_22 = arith.constant 0 : i32
    %ne3A_23 = arith.cmpi ne, %rem3A_21, %ne3A_22 : i32
    %lt3A = arith.constant 0 : i32
    %lt3A_24 = arith.cmpi slt, %rem3A_21, %lt3A : i32
    %lt3A_25 = arith.constant 0 : i32
    %lt3A_26 = arith.cmpi slt, %select_n3A_20, %lt3A_25 : i32
    %ne3A_27 = arith.xori %lt3A_24, %lt3A_26 : i1
    %and3A_28 = arith.andi %ne3A_27, %ne3A_23 : i1
    %add3A = arith.addi %rem3A_21, %select_n3A_20 : i32
    %select_n3A_29 = arith.select %and3A_28, %add3A, %rem3A_21 : i32
    %c0_i32 = arith.constant 0 : i32
    %c0_i32_30 = arith.constant 0 : i32
    return %select_n3A, %select_n3A_29, %c0_i32 : i32, i32, i32
  }
  func.func @transform_10(%arg0: i32) -> (i32, i32) {
    %c0_i32 = arith.constant 0 : i32
    %c0_i32_0 = arith.constant 0 : i32
    %c0_i32_1 = arith.constant 0 : i32
    return %c0_i32, %c0_i32_0 : i32, i32
  }
  func.func @transform_11(%arg0: i32) -> (i32, i32) {
    %c0_i32 = arith.constant 0 : i32
    %c0_i32_0 = arith.constant 0 : i32
    %c0_i32_1 = arith.constant 0 : i32
    return %c0_i32, %c0_i32_0 : i32, i32
  }
}

</mosaic_0001>

<sc_bundles>
// kernel: kernel.6.cloned.1.call-start
scs
__scs_entry_jumppad:
0x0: {  	(pc) =	sbr.rel $0x88, $3  }
0x1: {  	(tag) =	ssettag $0x0;
	lr =	simm.s32 $0x1  }
0x2: {  	[smem:$0x3F94] =	sst lr;
	_ =	strace $0xD0000000  }
0x3: {  	_ = 	snop  }
0x4: {  	_ = 	snop  }
0x5: {  	_ = 	snop  }
0x6: {  	_ = 	snop  }
0x7: {  	_ = 	snop  }
__scs_overlays_trampoline_lowered:
0x8: {  	[smem:$0x3FA3] =	sst s0  }
0x9: {  	[smem:$0x3FA4] =	sst s1  }
0xa: {  	[smem:$0x3FA5] =	sst s2  }
0xb: {  	[smem:$0x3FA6] =	sst s3  }
0xc: {  	[smem:$0x3FA7] =	sst s4  }
0xd: {  	[smem:$0x3FA8] =	sst s5  }
0xe: {  	[smem:$0x3FA9] =	sst s6  }
0xf: {  	[smem:$0x3FAA] =	sst s7  }
0x10: {  	[smem:$0x3FAB] =	sst s8  }
0x11: {  	[smem:$0x3FAC] =	sst s9;
	s0 =	simm.s32 @!p0 $0x0  }
0x12: {  	s1 =	sld [smem:$0x3F92];
	s0 =	simm.s32 @p0 $0x1  }
0x13: {  	[smem:$0x3FAD] =	sst s0;
	s0 =	simm.s32 @!p1 $0x0  }
0x14: {  	s2 =	sld [smem:$0x3F91];
	s0 =	simm.s32 @p1 $0x1  }
0x15: {  	[smem:$0x3FAE] =	sst s0;
	s0 =	simm.s32 @!p2 $0x0  }
0x16: {  	s3 =	sld [smem:$0x3FDB];
	s0 =	simm.s32 @p2 $0x1  }
0x17: {  	s4 =	simm.s32 $0x1BF5;
	[smem:$0x3FB0] =	sst s0  }
0x18: {  	s0 =	sld [smem:$0x3F93];
	_ =	swait.ge [sflag:s4], $0x0  }
0x19: {  	s7 =	sld [smem:$0x3F94]  }
0x1a: {  	s8 =	sadd.s32 $0xFFFFE003, lr  }
0x1b: {  	s9 =	sadd.s32 $0xFFFFFEF7, lr;
	s5 =	simm.s32 $0xFFFFFFFF;
	p2 =	slt.u32 s8, $0xFFFFF086  }
0x1c: {  	p1 =	slt.u32 s9, $0xF7A;
	s5 =	simm.s32 @!p2 $0x0  }
0x1d: {  	s5 =	simm.s32 @p1 $0x1;
	p0 =	seq.s32 s7, s2  }
0x1e: {  	s7 =	smul.u32 @!p0 $0xF7A, s2;
	p2 =	seq.s32 @!p0 s5, $0x0  }
0x1f: {  	s9 =	smul.u32 $0xF7A, s1;
	s8 =	simm.s32 @!p0 $0x1BF5;
	p2 =	por !p2, p0  }
0x20: {  	[sflag:s8] =	ssyncset.s32 @!p0 $0xFFFFF086;
	s6 =	sadd.s32 @!p0 s3, s7;
	s7 =	simm.s32 @!p0 $0x108  }
0x21: {  	s3 =	sadd.s32 s3, s9;
	s6 =	sadd.s32 @!p0 $0x88, s6;
	s7 =	simm.s32 @p2 $0x1082  }
0x22: {  	[simem:s7], [sflag:s8] =	dma.local @!p0 [hbm:s6], $0xF7A  }
0x23: {  	s9 =	sor.u32 $0xD0000000, s2;
	s6 =	simm.s32 $0x108;
	_ =	swait.ge @!p0 [sflag:s8], $0x0  }
0x24: {  	s3 =	sadd.s32 $0x88, s3;
	s6 =	simm.s32 @!p1 $0x1082;
	[sflag:s4] =	ssyncset.s32 $0xFFFFF086  }
0x25: {  	[simem:s6], [sflag:s4] =	dma.local [hbm:s3], $0xF7A  }
0x26: {  	[smem:$0x3F94] =	sst s1;
	(tag) =	ssettag s2;
	_ =	strace s9  }
0x27: {  	s1 =	sld [smem:$0x3FA4]  }
0x28: {  	s2 =	sld [smem:$0x3FA5]  }
0x29: {  	s4 =	sld [smem:$0x3FA7]  }
0x2a: {  	p0 =	seq.s32 s5, $0x0;
	s5 =	sld [smem:$0x3FA8]  }
0x2b: {  	s6 =	sld [smem:$0x3FA9]  }
0x2c: {  	s7 =	sld [smem:$0x3FAA]  }
0x2d: {  	s3 =	simm.s32 $0x108;
	s8 =	sld [smem:$0x3FAB]  }
0x2e: {  	s3 =	simm.s32 @!p0 $0x1082;
	s9 =	sld [smem:$0x3FAC]  }
0x2f: {  	lr =	sadd.s32 s0, s3;
	s0 =	sld [smem:$0x3FA3]  }
0x30: {  	s3 =	sld [smem:$0x3FA6]  }
0x31: {  	[smem:$0x3FAF] =	sst s10  }
0x32: {  	s10 =	sld [smem:$0x3FAD];
	_ =	sdelay $0x3  }
0x33: {  	p0 =	seq.s32 s10, $0x1;
	s10 =	sld [smem:$0x3FAF];
	_ =	sdelay $0x3  }
0x34: {  	[smem:$0x3FAF] =	sst s10  }
0x35: {  	s10 =	sld [smem:$0x3FAE];
	_ =	sdelay $0x3  }
0x36: {  	p1 =	seq.s32 s10, $0x1;
	s10 =	sld [smem:$0x3FAF];
	_ =	sdelay $0x3  }
0x37: {  	[smem:$0x3FAF] =	sst s10  }
0x38: {  	s10 =	sld [smem:$0x3FB0]  }
0x39: {  	_ = 	snop;
	(pc) =	sbr.ind lr, $3  }
0x3a: {  	_ = 	snop  }
0x3b: {  	_ = 	snop  }
0x3c: {  	p2 =	seq.s32 s10, $0x1;
	s10 =	sld [smem:$0x3FAF]  }
0x3d: {  	_ =	shalt  }
0x3e: {  	_ =	shalt  }
0x3f: {  	_ =	shalt  }
0x40: {  	_ =	shalt  }
0x41: {  	_ =	shalt  }
0x42: {  	_ =	shalt  }
0x43: {  	_ =	shalt  }
0x44: {  	_ =	shalt  }
0x45: {  	_ =	shalt  }
0x46: {  	_ =	shalt  }
0x47: {  	_ =	shalt  }
0x48: {  	_ =	shalt  }
0x49: {  	_ =	shalt  }
0x4a: {  	_ =	shalt  }
0x4b: {  	_ =	shalt  }
0x4c: {  	_ =	shalt  }
0x4d: {  	_ =	shalt  }
0x4e: {  	_ =	shalt  }
0x4f: {  	_ =	shalt  }
0x50: {  	_ =	shalt  }
0x51: {  	_ =	shalt  }
0x52: {  	_ =	shalt  }
0x53: {  	_ =	shalt  }
0x54: {  	_ =	shalt  }
0x55: {  	_ =	shalt  }
0x56: {  	_ =	shalt  }
0x57: {  	_ =	shalt  }
0x58: {  	_ =	shalt  }
0x59: {  	_ =	shalt  }
0x5a: {  	_ =	shalt  }
0x5b: {  	_ =	shalt  }
0x5c: {  	_ =	shalt  }
0x5d: {  	_ =	shalt  }
0x5e: {  	_ =	shalt  }
0x5f: {  	_ =	shalt  }
0x60: {  	_ =	shalt  }
0x61: {  	_ =	shalt  }
0x62: {  	_ =	shalt  }
0x63: {  	_ =	shalt  }
0x64: {  	_ =	shalt  }
0x65: {  	_ =	shalt  }
0x66: {  	_ =	shalt  }
0x67: {  	_ =	shalt  }
0x68: {  	_ =	shalt  }
0x69: {  	_ =	shalt  }
0x6a: {  	_ =	shalt  }
0x6b: {  	_ =	shalt  }
0x6c: {  	_ =	shalt  }
0x6d: {  	_ =	shalt  }
0x6e: {  	_ =	shalt  }
0x6f: {  	_ =	shalt  }
0x70: {  	_ =	shalt  }
0x71: {  	_ =	shalt  }
0x72: {  	_ =	shalt  }
0x73: {  	_ =	shalt  }
0x74: {  	_ =	shalt  }
0x75: {  	_ =	shalt  }
0x76: {  	_ =	shalt  }
0x77: {  	_ =	shalt  }
0x78: {  	_ =	shalt  }
0x79: {  	_ =	shalt  }
0x7a: {  	_ =	shalt  }
0x7b: {  	_ =	shalt  }
0x7c: {  	_ =	shalt  }
0x7d: {  	_ =	shalt  }
0x7e: {  	_ =	shalt  }
0x7f: {  	_ =	shalt  }
0x80: {  	_ =	shalt  }
0x81: {  	_ =	shalt  }
0x82: {  	_ =	shalt  }
0x83: {  	_ =	shalt  }
0x84: {  	_ =	shalt  }
0x85: {  	_ =	shalt  }
0x86: {  	_ =	shalt  }
0x87: {  	_ =	shalt  }
.Lfunc_end0:
.L_simem_size_0:
called_computation_lowered:
.L_overlay_start_0:
0x88: {  	s2 =	sld [smem:$0x3FD9]  }
0x89: {  	s3 =	sld [smem:$0x3FFE];
	_ =	sdelay $0x1  }
0x8a: {  	s1 =	srdreg.scid  }
0x8b: {  	s0 =	sand.u32 $0x1, s1  }
0x8c: {  	s17 =	sshll.u32 s0, $0xA;
	s2 =	sadd.s32 s3, s2  }
0x8d: {  	s2 =	sadd.s32 s2, s17  }
0x8e: {  	[smem:$0x3FBB] =	sst s2  }
0x8f: {  	_ = 	snop  }
0x90: {  	s2 =	sld [smem:$0x3FD0];
	(tm) =	ssettm $0x1  }
0x91: {  	s18 =	sld [smem:$0x3FFB];
	_ =	sdelay $0x3  }
0x92: {  	_ =	strace s18  }
0x93: {  	s3 =	sld [smem:$0x3FFC];
	_ =	sdelay $0x3  }
0x94: {  	_ =	strace s3  }
0x95: {  	s3 =	sld [smem:$0x3FFD];
	_ =	sdelay $0x3  }
0x96: {  	_ =	strace s3  }
0x97: {  	_ =	strace $0x8FFFFFFF  }
0x98: {  	s19 =	sld [smem:$0x3FDB];
	_ =	sdelay $0x1  }
0x99: {  	s4 =	simm.s32 $_scs_section_size  }
0x9a: {  	s5 =	simm.s32 $_size__tile_overlayer_lowered;
	s6 =	simm.s32 $_tile_overlayer_lowered  }
0x9b: {  	s22 =	simm.s32 $0x1BFF;
	s21 =	sshll.u32 s6, $0x1;
	s3 =	sadd.s32 s4, s19  }
0x9c: {  	s7 =	simm.s32 $0x0;
	s20 =	sshll.u32 s5, $0x1;
	s5 =	sadd.s32 s21, s3  }
0x9d: {  	[timem:s7], [sflag:s22] =	dma.local [hbm:s5], s20  }
0x9e: {  	_ =	swait.ge [sflag:s22], s20  }
0x9f: {  	s4 =	ssub.s32 $0x0, s20;
	[sflag:s22] =	ssyncset.done $0x0  }
0xa0: {  	[sflag:s22] =	ssyncadd.s32 s4;
	_ =	sdelay $0x1  }
0xa1: {  	s23 =	simm.s32 $0x1B8B  }
0xa2: {  	_ =	swait.ge [sflag:s23], $0x1  }
0xa3: {  	[sflag:s23] =	ssyncset.done $0x0  }
0xa4: {  	s25 =	simm.s32 $0x1B8E;
	s24 =	sld [smem:$0x3FFE];
	[sflag:s23] =	ssyncadd.s32 $0xFFFFFFFF  }
0xa5: {  	s26 =	simm.s32 $execute0_lowered;
	[smem:$0x3FD2] =	sst s25  }
0xa6: {  	s5 =	sshll.u32 s26, $0x1;
	_ =	strace $0x80000046;
	[dreg:$0x1] =	wrdreg $0xFFFFFFFF  }
0xa7: {  	s28 =	simm.s32 $_size_execute0_lowered;
	s3 =	sadd.s32 s3, s5;
	[dreg:$0x0] =	wrdreg $0x0  }
0xa8: {  	s5 =	sshll.u32 s28, $0x1;
	[dreg:$0x2] =	wrdreg s3  }
0xa9: {  	[dreg:$0x3] =	wrdreg s5  }
0xaa: {  	[dreg:$0x4] =	wrdreg $0xC0  }
0xab: {  	_ =	task [dreg:s7], $0x5FFFF  }
0xac: {  	[dreg:$0x1] =	wrdreg $0xFFFFFFFF  }
0xad: {  	[dreg:$0x0] =	wrdreg $0x60  }
0xae: {  	[dreg:$0x2] =	wrdreg s2  }
0xaf: {  	[dreg:$0x3] =	wrdreg s24  }
0xb0: {  	[dreg:$0x4] =	wrdreg $0x9  }
0xb1: {  	_ =	task.clear_ibuf [dreg:s7], $0x5FFFF;
	_ =	strace $0x90000046  }
0xb2: {  	s29 =	simm.s32 $0x9;
	_ =	strace $0x80000048  }
0xb3: {  	_ =	swait.ge [sflag:s29], $0x1  }
0xb4: {  	[sflag:s29] =	ssyncadd.s32 $0xFFFFFFFF  }
0xb5: {  	_ =	strace $0x90000048  }
0xb6: {  	_ =	sfence  }
0xb7: {  	s30 =	sld [smem:$0x0];
	_ =	sdelay $0x2  }
0xb8: {  	s31 =	sshll.u32 s1, $0xD;
	s1 =	sshrl.u32 s1, $0x2  }
0xb9: {  	s3 =	sand.u32 $0x4000, s31;
	s1 =	sadd.s32 s1, s30  }
0xba: {  	s0 =	sor.u32 s3, s0;
	s1 =	sshll.u32 s1, $0x11  }
0xbb: {  	s0 =	sor.u32 s1, s0  }
0xbc: {  	s0 =	sadd.s32 $0x8F2B, s0  }
0xbd: {  	[sflag:s0] =	ssyncadd.remote.s32 $0x1  }
0xbe: {  	_ =	sfence.sel $0xFFFF  }
0xbf: {  	[dreg:$0x0] =	wrdreg $0xFFFFFFFF;
	(pc) =	sbr.abs _section_cstart, $3  }
0xc0: {  	[dreg:$0x1] =	wrdreg $0xFFFFFFFF  }
0xc1: {  	_ =	task.clear_ibuf [dreg:s7], $0x2FFFF;
	_ =	strace $0x9FFFFFFF  }
0xc2: {  	(tm) =	ssettm $0x7FFFFFFF  }
0xc3: {  	_ =	shalt  }
tec
execute0_lowered:
.L_overlay_start_1:
0x0: {  	(tag) =	ssettag $0x1  }
0x1: {  	s3 =	rddreg [dreg:$0x0]  }
0x2: {  	s5 =	rddreg [dreg:$0x1];
	s2 =	simm.s32 $0x0  }
0x3: {  	s0 =	stileid.u32;
	s25 =	simm.s32 $0x880;
	[smem:$0x7FF] =	sst s2  }
0x4: {  	s26 =	simm.s32 $0x1080;
	_ =	strace $0x80000047;
	[dreg:$0x5] =	wrdreg s25  }
0x5: {  	s4 =	sshll.u32 s0, $0x5;
	s0 =	simm.s32 $0x1880;
	[dreg:$0x6] =	wrdreg s26  }
0x6: {  	s7 =	simm.s32 $0x3080;
	[dreg:$0x7] =	wrdreg s0  }
0x7: {  	s8 =	simm.s32 $0x3880;
	[dreg:$0xa] =	wrdreg s7  }
0x8: {  	s9 =	simm.s32 $0x4080;
	[dreg:$0xb] =	wrdreg s8  }
0x9: {  	s10 =	simm.s32 $0x4880;
	[dreg:$0xc] =	wrdreg s9  }
0xa: {  	s11 =	simm.s32 $0x5080;
	[dreg:$0xd] =	wrdreg s10  }
0xb: {  	s12 =	simm.s32 $0x5880;
	[dreg:$0xe] =	wrdreg s11  }
0xc: {  	s13 =	simm.s32 $0x6080;
	[dreg:$0xf] =	wrdreg s12  }
0xd: {  	s14 =	simm.s32 $0x6880;
	[dreg:$0x10] =	wrdreg s13  }
0xe: {  	s15 =	simm.s32 $0x7080;
	[dreg:$0x11] =	wrdreg s14  }
0xf: {  	s16 =	simm.s32 $0x7880;
	[dreg:$0x12] =	wrdreg s15  }
0x10: {  	s1 =	srdreg.scid;
	s17 =	simm.s32 $0x8080;
	[dreg:$0x13] =	wrdreg s16  }
0x11: {  	s18 =	simm.s32 $0x8880;
	s19 =	simm.s32 $0x9080;
	[dreg:$0x14] =	wrdreg s17  }
0x12: {  	s21 =	simm.s32 $0x9880;
	s22 =	simm.s32 $0xA080;
	[dreg:$0x15] =	wrdreg s18  }
0x13: {  	s23 =	simm.s32 $0xA880;
	s24 =	simm.s32 $0xB880;
	[dreg:$0x16] =	wrdreg s19  }
0x14: {  	s28 =	simm.s32 $0x16080;
	s29 =	simm.s32 $0x16880;
	[dreg:$0x17] =	wrdreg s21  }
0x15: {  	s30 =	simm.s32 $0x17080;
	s1 =	sand.u32 $0x1, s1;
	[dreg:$0x18] =	wrdreg s22  }
0x16: {  	s31 =	simm.s32 $0x17880;
	s6 =	sshll.u32 s1, $0x4;
	[dreg:$0x19] =	wrdreg s23  }
0x17: {  	s1 =	ssub.s32 $0x2, s1;
	s7 =	simm.s32 $0xB080;
	[dreg:$0x1b] =	wrdreg s24  }
0x18: {  	s25 =	simm.s32 $0xC080;
	s8 =	simm.s32 $0x80;
	s26 =	simm.s32 $0xC880  }
0x19: {  	s10 =	simm.s32 $0xD880;
	s11 =	simm.s32 $0xE080;
	s12 =	simm.s32 $0xE880  }
0x1a: {  	s13 =	simm.s32 $0xF080;
	s14 =	simm.s32 $0xF880;
	s15 =	simm.s32 $0x10080  }
0x1b: {  	s16 =	simm.s32 $0x10880;
	s17 =	simm.s32 $0x11080;
	s18 =	simm.s32 $0x11880  }
0x1c: {  	s19 =	simm.s32 $0x12080;
	s21 =	simm.s32 $0x13080;
	s22 =	simm.s32 $0x13880  }
0x1d: {  	s23 =	simm.s32 $0x14080;
	s24 =	simm.s32 $0x14880;
	s4 =	sor.u32 s6, s4  }
0x1e: {  	s20 =	sshrl.u32 s1, $0x1;
	[dreg:$0x1a] =	wrdreg s7;
	s7 =	simm.s32 $0x2  }
0x1f: {  	[dreg:$0x1c] =	wrdreg s25;
	s6 =	sadd.s32 s4, s5;
	s4 =	smul.u32 $0x300, s4  }
0x20: {  	[dreg:$0x1d] =	wrdreg s26;
	s25 =	simm.s32 $0x15080;
	s6 =	sadd.s32 $0xE00, s6  }
0x21: {  	s26 =	simm.s32 $0x15880;
	[dreg:$0x3] =	wrdreg s6;
	s3 =	sadd.s32 s3, s4  }
0x22: {  	s1 =	ssub.s32 s1, s20;
	s4 =	simm.s32 $0x2080;
	[dreg:$0x4] =	wrdreg s3  }
0x23: {  	v2 =	vlaneseq.u32;
	s20 =	simm.s32 $0x12880;
	s6 =	simm.s32 $0x2880;
	[dreg:$0x8] =	wrdreg s4  }
0x24: {  	vm0 =	vmmov $0xffff;
	v1 =	vshrl.u32 v2, $0x3;
	[dreg:$0x9] =	wrdreg s6;
	s3 =	sadd.s32 $0x1000, s5;
	s4 =	sadd.s32 $0x1100, s5  }
0x25: {  	v0 =	vand.u32 $0x7, v2;
	v2 =	vor.u32 $0x8, v2;
	v1 =	vmul.u32 $0x8, v1;
	s5 =	sadd.s32 $0x1200, s5;
	s6 =	smax.u32 s1, $0x1;
	s1 =	simm.s32 $0x1  }
.LBB2_1:
0x26: {  	s0 =	rddreg [dreg:$0x3]  }
0x27: {  	[tilespmem:s2], [sflag:$0x2] =	stream.linear.gather [hbm4b:s0+s2], $0x80, $0x38;
	[tilespmem:$0x18080] =	vst v63  }
0x28: {  	_ =	swait.ge [sflag:s7], $0x80  }
0x29: {  	[sflag:s7] =	ssyncset.done $0x0  }
0x2a: {  	s9 =	rddreg [dreg:$0x4];
	[sflag:s7] =	ssyncadd.s32 $0xFFFFFF80  }
0x2b: {  	[tilespmem:s8], [sflag:$0x2] =	stream.linear.gather [hbm4b:s9+s2], $0x18000, $0x38;
	[tilespmem:$0x18080] =	vst v63  }
0x2c: {  	_ =	swait.ge [sflag:s7], $0x18000  }
0x2d: {  	[sflag:s7] =	ssyncset.done $0x0  }
0x2e: {  	[sflag:s7] =	ssyncadd.s32 $0xFFFE8000  }
0x2f: {  	v3 =	vld [tilespmem:$0x0];
	_ =	sdelay $0x4  }
0x30: {  	v4 =	vshrl.u32 v3, $0x3  }
0x31: {  	v4 =	vmul.u32 $0x30, v4  }
0x32: {  	v3 =	vand.u32 $0x7, v3  }
0x33: {  	v3 =	vor.u32 v3, v4  }
0x34: {  	v4 =	vperm.xlane v3, v0;
	_ =	sdelay $0x1  }
0x35: {  	v4 =	vadd.s32 v1, v4;
	_ =	sdelay $0x3  }
0x36: {  	v3 =	vperm.xlane v3, v2  }
0x37: {  	[hbm4b:s3+s2] =	stream.indirect_vreg.scatter [tilespmem:s8], [sflag:$0x1], $0x80, v4, vm0, $0xb8;
	[tilespmem:$0x18080] =	vst v63  }
0x38: {  	s0 =	rddreg [dreg:$0x5];
	v3 =	vadd.s32 v1, v3  }
0x39: {  	[hbm4b:s4+s2] =	stream.indirect_vreg.scatter [tilespmem:s0], [sflag:$0x1], $0x80, v4, vm0, $0xb8;
	[tilespmem:$0x18080] =	vst v63  }
0x3a: {  	s9 =	rddreg [dreg:$0x6]  }
0x3b: {  	[hbm4b:s5+s2] =	stream.indirect_vreg.scatter [tilespmem:s9], [sflag:$0x1], $0x80, v4, vm0, $0xb8;
	[tilespmem:$0x18080] =	vst v63  }
0x3c: {  	s0 =	rddreg [dreg:$0x7]  }
0x3d: {  	[hbm4b:s3+s2] =	stream.indirect_vreg.scatter [tilespmem:s0], [sflag:$0x1], $0x80, v3, vm0, $0xb8;
	[tilespmem:$0x18080] =	vst v63  }
0x3e: {  	s9 =	rddreg [dreg:$0x8]  }
0x3f: {  	[hbm4b:s4+s2] =	stream.indirect_vreg.scatter [tilespmem:s9], [sflag:$0x1], $0x80, v3, vm0, $0xb8;
	[tilespmem:$0x18080] =	vst v63  }
0x40: {  	s0 =	rddreg [dreg:$0x9]  }
0x41: {  	[hbm4b:s5+s2] =	stream.indirect_vreg.scatter [tilespmem:s0], [sflag:$0x1], $0x80, v3, vm0, $0xb8;
	[tilespmem:$0x18080] =	vst v63  }
0x42: {  	v3 =	vld [tilespmem:$0x10];
	_ =	sdelay $0x4  }
0x43: {  	v57 =	vshrl.u32 v3, $0x3  }
0x44: {  	v4 =	vmul.u32 $0x30, v57  }
0x45: {  	v3 =	vand.u32 $0x7, v3  }
0x46: {  	v3 =	vor.u32 v3, v4  }
0x47: {  	v4 =	vperm.xlane v3, v0;
	_ =	sdelay $0x1  }
0x48: {  	v4 =	vadd.s32 v1, v4;
	_ =	sdelay $0x3  }
0x49: {  	s0 =	rddreg [dreg:$0xa];
	v3 =	vperm.xlane v3, v2  }
0x4a: {  	[hbm4b:s3+s2] =	stream.indirect_vreg.scatter [tilespmem:s0], [sflag:$0x1], $0x80, v4, vm0, $0xb8;
	[tilespmem:$0x18080] =	vst v63  }
0x4b: {  	s9 =	rddreg [dreg:$0xb];
	v3 =	vadd.s32 v1, v3  }
0x4c: {  	[hbm4b:s4+s2] =	stream.indirect_vreg.scatter [tilespmem:s9], [sflag:$0x1], $0x80, v4, vm0, $0xb8;
	[tilespmem:$0x18080] =	vst v63  }
0x4d: {  	s0 =	rddreg [dreg:$0xc]  }
0x4e: {  	[hbm4b:s5+s2] =	stream.indirect_vreg.scatter [tilespmem:s0], [sflag:$0x1], $0x80, v4, vm0, $0xb8;
	[tilespmem:$0x18080] =	vst v63  }
0x4f: {  	s9 =	rddreg [dreg:$0xd]  }
0x50: {  	[hbm4b:s3+s2] =	stream.indirect_vreg.scatter [tilespmem:s9], [sflag:$0x1], $0x80, v3, vm0, $0xb8;
	[tilespmem:$0x18080] =	vst v63  }
0x51: {  	s0 =	rddreg [dreg:$0xe]  }
0x52: {  	[hbm4b:s4+s2] =	stream.indirect_vreg.scatter [tilespmem:s0], [sflag:$0x1], $0x80, v3, vm0, $0xb8;
	[tilespmem:$0x18080] =	vst v63  }
0x53: {  	s9 =	rddreg [dreg:$0xf]  }
0x54: {  	[hbm4b:s5+s2] =	stream.indirect_vreg.scatter [tilespmem:s9], [sflag:$0x1], $0x80, v3, vm0, $0xb8;
	[tilespmem:$0x18080] =	vst v63  }
0x55: {  	v3 =	vld [tilespmem:$0x20];
	_ =	sdelay $0x4  }
0x56: {  	v58 =	vshrl.u32 v3, $0x3  }
0x57: {  	v4 =	vmul.u32 $0x30, v58  }
0x58: {  	v3 =	vand.u32 $0x7, v3  }
0x59: {  	v3 =	vor.u32 v3, v4  }
0x5a: {  	v4 =	vperm.xlane v3, v0;
	_ =	sdelay $0x1  }
0x5b: {  	v4 =	vadd.s32 v1, v4;
	_ =	sdelay $0x3  }
0x5c: {  	s0 =	rddreg [dreg:$0x10];
	v3 =	vperm.xlane v3, v2  }
0x5d: {  	[hbm4b:s3+s2] =	stream.indirect_vreg.scatter [tilespmem:s0], [sflag:$0x1], $0x80, v4, vm0, $0xb8;
	[tilespmem:$0x18080] =	vst v63  }
0x5e: {  	s9 =	rddreg [dreg:$0x11];
	v3 =	vadd.s32 v1, v3  }
0x5f: {  	[hbm4b:s4+s2] =	stream.indirect_vreg.scatter [tilespmem:s9], [sflag:$0x1], $0x80, v4, vm0, $0xb8;
	[tilespmem:$0x18080] =	vst v63  }
0x60: {  	s0 =	rddreg [dreg:$0x12]  }
0x61: {  	[hbm4b:s5+s2] =	stream.indirect_vreg.scatter [tilespmem:s0], [sflag:$0x1], $0x80, v4, vm0, $0xb8;
	[tilespmem:$0x18080] =	vst v63  }
0x62: {  	s9 =	rddreg [dreg:$0x13]  }
0x63: {  	[hbm4b:s3+s2] =	stream.indirect_vreg.scatter [tilespmem:s9], [sflag:$0x1], $0x80, v3, vm0, $0xb8;
	[tilespmem:$0x18080] =	vst v63  }
0x64: {  	s0 =	rddreg [dreg:$0x14]  }
0x65: {  	[hbm4b:s4+s2] =	stream.indirect_vreg.scatter [tilespmem:s0], [sflag:$0x1], $0x80, v3, vm0, $0xb8;
	[tilespmem:$0x18080] =	vst v63  }
0x66: {  	s9 =	rddreg [dreg:$0x15]  }
0x67: {  	[hbm4b:s5+s2] =	stream.indirect_vreg.scatter [tilespmem:s9], [sflag:$0x1], $0x80, v3, vm0, $0xb8;
	[tilespmem:$0x18080] =	vst v63  }
0x68: {  	v3 =	vld [tilespmem:$0x30];
	_ =	sdelay $0x4  }
0x69: {  	v59 =	vshrl.u32 v3, $0x3  }
0x6a: {  	v4 =	vmul.u32 $0x30, v59  }
0x6b: {  	v3 =	vand.u32 $0x7, v3  }
0x6c: {  	v3 =	vor.u32 v3, v4  }
0x6d: {  	v4 =	vperm.xlane v3, v0;
	_ =	sdelay $0x1  }
0x6e: {  	v4 =	vadd.s32 v1, v4;
	_ =	sdelay $0x3  }
0x6f: {  	s0 =	rddreg [dreg:$0x16];
	v3 =	vperm.xlane v3, v2  }
0x70: {  	[hbm4b:s3+s2] =	stream.indirect_vreg.scatter [tilespmem:s0], [sflag:$0x1], $0x80, v4, vm0, $0xb8;
	[tilespmem:$0x18080] =	vst v63  }
0x71: {  	s9 =	rddreg [dreg:$0x17];
	v3 =	vadd.s32 v1, v3  }
0x72: {  	[hbm4b:s4+s2] =	stream.indirect_vreg.scatter [tilespmem:s9], [sflag:$0x1], $0x80, v4, vm0, $0xb8;
	[tilespmem:$0x18080] =	vst v63  }
0x73: {  	s0 =	rddreg [dreg:$0x18]  }
0x74: {  	[hbm4b:s5+s2] =	stream.indirect_vreg.scatter [tilespmem:s0], [sflag:$0x1], $0x80, v4, vm0, $0xb8;
	[tilespmem:$0x18080] =	vst v63  }
0x75: {  	s9 =	rddreg [dreg:$0x19]  }
0x76: {  	[hbm4b:s3+s2] =	stream.indirect_vreg.scatter [tilespmem:s9], [sflag:$0x1], $0x80, v3, vm0, $0xb8;
	[tilespmem:$0x18080] =	vst v63  }
0x77: {  	s0 =	rddreg [dreg:$0x1a]  }
0x78: {  	[hbm4b:s4+s2] =	stream.indirect_vreg.scatter [tilespmem:s0], [sflag:$0x1], $0x80, v3, vm0, $0xb8;
	[tilespmem:$0x18080] =	vst v63  }
0x79: {  	s9 =	rddreg [dreg:$0x1b]  }
0x7a: {  	[hbm4b:s5+s2] =	stream.indirect_vreg.scatter [tilespmem:s9], [sflag:$0x1], $0x80, v3, vm0, $0xb8;
	[tilespmem:$0x18080] =	vst v63  }
0x7b: {  	v3 =	vld [tilespmem:$0x40];
	_ =	sdelay $0x4  }
0x7c: {  	v60 =	vshrl.u32 v3, $0x3  }
0x7d: {  	v4 =	vmul.u32 $0x30, v60  }
0x7e: {  	v3 =	vand.u32 $0x7, v3  }
0x7f: {  	v3 =	vor.u32 v3, v4  }
0x80: {  	v4 =	vperm.xlane v3, v0;
	_ =	sdelay $0x1  }
0x81: {  	v4 =	vadd.s32 v1, v4;
	_ =	sdelay $0x3  }
0x82: {  	s0 =	rddreg [dreg:$0x1c];
	v3 =	vperm.xlane v3, v2  }
0x83: {  	[hbm4b:s3+s2] =	stream.indirect_vreg.scatter [tilespmem:s0], [sflag:$0x1], $0x80, v4, vm0, $0xb8;
	[tilespmem:$0x18080] =	vst v63  }
0x84: {  	s9 =	rddreg [dreg:$0x1d];
	v3 =	vadd.s32 v1, v3  }
0x85: {  	[hbm4b:s4+s2] =	stream.indirect_vreg.scatter [tilespmem:s9], [sflag:$0x1], $0x80, v4, vm0, $0xb8;
	[tilespmem:$0x18080] =	vst v63  }
0x86: {  	s9 =	simm.s32 $0xD080  }
0x87: {  	[hbm4b:s5+s2] =	stream.indirect_vreg.scatter [tilespmem:s9], [sflag:$0x1], $0x80, v4, vm0, $0xb8;
	[tilespmem:$0x18080] =	vst v63  }
0x88: {  	_ = 	snop  }
0x89: {  	[hbm4b:s3+s2] =	stream.indirect_vreg.scatter [tilespmem:s10], [sflag:$0x1], $0x80, v3, vm0, $0xb8;
	[tilespmem:$0x18080] =	vst v63  }
0x8a: {  	_ = 	snop  }
0x8b: {  	[hbm4b:s4+s2] =	stream.indirect_vreg.scatter [tilespmem:s11], [sflag:$0x1], $0x80, v3, vm0, $0xb8;
	[tilespmem:$0x18080] =	vst v63  }
0x8c: {  	_ = 	snop  }
0x8d: {  	[hbm4b:s5+s2] =	stream.indirect_vreg.scatter [tilespmem:s12], [sflag:$0x1], $0x80, v3, vm0, $0xb8;
	[tilespmem:$0x18080] =	vst v63  }
0x8e: {  	v3 =	vld [tilespmem:$0x50];
	_ =	sdelay $0x4  }
0x8f: {  	v61 =	vshrl.u32 v3, $0x3  }
0x90: {  	v4 =	vmul.u32 $0x30, v61  }
0x91: {  	v3 =	vand.u32 $0x7, v3  }
0x92: {  	v3 =	vor.u32 v3, v4  }
0x93: {  	v4 =	vperm.xlane v3, v0;
	_ =	sdelay $0x1  }
0x94: {  	v4 =	vadd.s32 v1, v4;
	_ =	sdelay $0x3  }
0x95: {  	v3 =	vperm.xlane v3, v2  }
0x96: {  	[hbm4b:s3+s2] =	stream.indirect_vreg.scatter [tilespmem:s13], [sflag:$0x1], $0x80, v4, vm0, $0xb8;
	[tilespmem:$0x18080] =	vst v63  }
0x97: {  	v3 =	vadd.s32 v1, v3  }
0x98: {  	[hbm4b:s4+s2] =	stream.indirect_vreg.scatter [tilespmem:s14], [sflag:$0x1], $0x80, v4, vm0, $0xb8;
	[tilespmem:$0x18080] =	vst v63  }
0x99: {  	_ = 	snop  }
0x9a: {  	[hbm4b:s5+s2] =	stream.indirect_vreg.scatter [tilespmem:s15], [sflag:$0x1], $0x80, v4, vm0, $0xb8;
	[tilespmem:$0x18080] =	vst v63  }
0x9b: {  	_ = 	snop  }
0x9c: {  	[hbm4b:s3+s2] =	stream.indirect_vreg.scatter [tilespmem:s16], [sflag:$0x1], $0x80, v3, vm0, $0xb8;
	[tilespmem:$0x18080] =	vst v63  }
0x9d: {  	_ = 	snop  }
0x9e: {  	[hbm4b:s4+s2] =	stream.indirect_vreg.scatter [tilespmem:s17], [sflag:$0x1], $0x80, v3, vm0, $0xb8;
	[tilespmem:$0x18080] =	vst v63  }
0x9f: {  	_ = 	snop  }
0xa0: {  	[hbm4b:s5+s2] =	stream.indirect_vreg.scatter [tilespmem:s18], [sflag:$0x1], $0x80, v3, vm0, $0xb8;
	[tilespmem:$0x18080] =	vst v63  }
0xa1: {  	v3 =	vld [tilespmem:$0x60];
	_ =	sdelay $0x4  }
0xa2: {  	v62 =	vshrl.u32 v3, $0x3  }
0xa3: {  	v4 =	vmul.u32 $0x30, v62  }
0xa4: {  	v3 =	vand.u32 $0x7, v3  }
0xa5: {  	v3 =	vor.u32 v3, v4  }
0xa6: {  	v4 =	vperm.xlane v3, v0;
	_ =	sdelay $0x1  }
0xa7: {  	v4 =	vadd.s32 v1, v4;
	_ =	sdelay $0x3  }
0xa8: {  	v3 =	vperm.xlane v3, v2  }
0xa9: {  	[hbm4b:s3+s2] =	stream.indirect_vreg.scatter [tilespmem:s19], [sflag:$0x1], $0x80, v4, vm0, $0xb8;
	[tilespmem:$0x18080] =	vst v63  }
0xaa: {  	v3 =	vadd.s32 v1, v3  }
0xab: {  	[hbm4b:s4+s2] =	stream.indirect_vreg.scatter [tilespmem:s20], [sflag:$0x1], $0x80, v4, vm0, $0xb8;
	[tilespmem:$0x18080] =	vst v63  }
0xac: {  	_ = 	snop  }
0xad: {  	[hbm4b:s5+s2] =	stream.indirect_vreg.scatter [tilespmem:s21], [sflag:$0x1], $0x80, v4, vm0, $0xb8;
	[tilespmem:$0x18080] =	vst v63  }
0xae: {  	_ = 	snop  }
0xaf: {  	[hbm4b:s3+s2] =	stream.indirect_vreg.scatter [tilespmem:s22], [sflag:$0x1], $0x80, v3, vm0, $0xb8;
	[tilespmem:$0x18080] =	vst v63  }
0xb0: {  	_ = 	snop  }
0xb1: {  	[hbm4b:s4+s2] =	stream.indirect_vreg.scatter [tilespmem:s23], [sflag:$0x1], $0x80, v3, vm0, $0xb8;
	[tilespmem:$0x18080] =	vst v63  }
0xb2: {  	_ = 	snop  }
0xb3: {  	[hbm4b:s5+s2] =	stream.indirect_vreg.scatter [tilespmem:s24], [sflag:$0x1], $0x80, v3, vm0, $0xb8;
	[tilespmem:$0x18080] =	vst v63  }
0xb4: {  	v3 =	vld [tilespmem:$0x70];
	_ =	sdelay $0x4  }
0xb5: {  	v63 =	vshrl.u32 v3, $0x3  }
0xb6: {  	v4 =	vmul.u32 $0x30, v63  }
0xb7: {  	v3 =	vand.u32 $0x7, v3  }
0xb8: {  	v3 =	vor.u32 v3, v4  }
0xb9: {  	v4 =	vperm.xlane v3, v0;
	_ =	sdelay $0x1  }
0xba: {  	v4 =	vadd.s32 v1, v4;
	_ =	sdelay $0x3  }
0xbb: {  	v3 =	vperm.xlane v3, v2  }
0xbc: {  	[hbm4b:s3+s2] =	stream.indirect_vreg.scatter [tilespmem:s25], [sflag:$0x1], $0x80, v4, vm0, $0xb8;
	[tilespmem:$0x18080] =	vst v63  }
0xbd: {  	v3 =	vadd.s32 v1, v3  }
0xbe: {  	[hbm4b:s4+s2] =	stream.indirect_vreg.scatter [tilespmem:s26], [sflag:$0x1], $0x80, v4, vm0, $0xb8;
	[tilespmem:$0x18080] =	vst v63  }
0xbf: {  	_ = 	snop  }
0xc0: {  	[hbm4b:s5+s2] =	stream.indirect_vreg.scatter [tilespmem:s28], [sflag:$0x1], $0x80, v4, vm0, $0xb8;
	[tilespmem:$0x18080] =	vst v63  }
0xc1: {  	_ = 	snop  }
0xc2: {  	[hbm4b:s3+s2] =	stream.indirect_vreg.scatter [tilespmem:s29], [sflag:$0x1], $0x80, v3, vm0, $0xb8;
	[tilespmem:$0x18080] =	vst v63  }
0xc3: {  	p0 =	sne.s32 s6, $0x1  }
0xc4: {  	[hbm4b:s4+s2] =	stream.indirect_vreg.scatter [tilespmem:s30], [sflag:$0x1], $0x80, v3, vm0, $0xb8;
	[tilespmem:$0x18080] =	vst v63  }
.Ltmp0:
0xc5: {  	_ = 	snop;
	(pc) =	sbr.rel @p0 .LBB2_1-.Ltmp0, $4  }
0xc6: {  	[hbm4b:s5+s2] =	stream.indirect_vreg.scatter [tilespmem:s31], [sflag:$0x1], $0x80, v3, vm0, $0xb8;
	[tilespmem:$0x18080] =	vst v63  }
0xc7: {  	_ =	swait.ge [sflag:s1], $0x18000  }
0xc8: {  	[sflag:s1] =	ssyncset.done $0x0  }
0xc9: {  	s6 =	sadd.s32 $0xFFFFFFFF, s6;
	[sflag:s1] =	ssyncadd.s32 $0xFFFE8000  }
0xca: {  	_ =	sfence.sel $0x180000  }
0xcb: {  	[bflag:$0x0] =	sbarrier.arrive $0xFFFF  }
0xcc: {  	_ =	strace $0x90000047  }
0xcd: {  	s0 =	stileid.u32;
	[bflag:$0x2] =	sbarrier.arrive $0xFFFF  }
0xce: {  	p0 =	sne.s32 s0, $0x0;
	s0 =	rddreg [dreg:$0x2]  }
0xcf: {  	s0 =	sadd.s32 @!p0 $0x100000, s0  }
0xd0: {  	[sflag:s0] =	ssyncadd.tile.s32 @!p0 $0x1;
	_ =	shalt  }
.Lfunc_end2:
_tile_overlayer_lowered:
.L_overlay_start_2:
0xd1: {  	(tag) =	ssettag $0x2  }
0xd2: {  	s0 =	rddreg [dreg:$0x0];
	s2 =	stileid.u32  }
0xd3: {  	s1 =	rddreg [dreg:$0x1];
	p0 =	sne.s32 s2, $0x0  }
0xd4: {  	s3 =	rddreg [dreg:$0x2];
	[bflag:$0x3] =	sbarrier.arrive $0xFFFF;
	s2 =	simm.s32 @!p0 $0x1C02  }
0xd5: {  	[timem:s3], [sflag:s2] =	dma.local @!p0 [hbm:s0], s1  }
0xd6: {  	s0 =	simm.s32 @!p0 $0x2  }
0xd7: {  	_ =	swait.ge @!p0 [sflag:s0], s1  }
0xd8: {  	s1 =	ssub.s32 @!p0 $0x0, s1;
	[sflag:s0] =	ssyncset.done @!p0 $0x0  }
0xd9: {  	[sflag:s0] =	ssyncadd.s32 @!p0 s1  }
0xda: {  	[bflag:$0x3] =	sbarrier.arrive $0xFFFF  }
0xdb: {  	_ =	shalt  }

// kernel: kernel.9.cloned.1.call-start
scs
__scs_entry_jumppad:
0x0: {  	(pc) =	sbr.rel $0x88, $3  }
0x1: {  	(tag) =	ssettag $0x0;
	lr =	simm.s32 $0x1  }
0x2: {  	[smem:$0x3F94] =	sst lr;
	_ =	strace $0xD0000000  }
0x3: {  	_ = 	snop  }
0x4: {  	_ = 	snop  }
0x5: {  	_ = 	snop  }
0x6: {  	_ = 	snop  }
0x7: {  	_ = 	snop  }
__scs_overlays_trampoline_lowered:
0x8: {  	[smem:$0x3FA3] =	sst s0  }
0x9: {  	[smem:$0x3FA4] =	sst s1  }
0xa: {  	[smem:$0x3FA5] =	sst s2  }
0xb: {  	[smem:$0x3FA6] =	sst s3  }
0xc: {  	[smem:$0x3FA7] =	sst s4  }
0xd: {  	[smem:$0x3FA8] =	sst s5  }
0xe: {  	[smem:$0x3FA9] =	sst s6  }
0xf: {  	[smem:$0x3FAA] =	sst s7  }
0x10: {  	[smem:$0x3FAB] =	sst s8  }
0x11: {  	[smem:$0x3FAC] =	sst s9;
	s0 =	simm.s32 @!p0 $0x0  }
0x12: {  	s1 =	sld [smem:$0x3F92];
	s0 =	simm.s32 @p0 $0x1  }
0x13: {  	[smem:$0x3FAD] =	sst s0;
	s0 =	simm.s32 @!p1 $0x0  }
0x14: {  	s2 =	sld [smem:$0x3F91];
	s0 =	simm.s32 @p1 $0x1  }
0x15: {  	[smem:$0x3FAE] =	sst s0;
	s0 =	simm.s32 @!p2 $0x0  }
0x16: {  	s3 =	sld [smem:$0x3FDB];
	s0 =	simm.s32 @p2 $0x1  }
0x17: {  	s4 =	simm.s32 $0x1BF5;
	[smem:$0x3FB0] =	sst s0  }
0x18: {  	s0 =	sld [smem:$0x3F93];
	_ =	swait.ge [sflag:s4], $0x0  }
0x19: {  	s7 =	sld [smem:$0x3F94]  }
0x1a: {  	s8 =	sadd.s32 $0xFFFFE003, lr  }
0x1b: {  	s9 =	sadd.s32 $0xFFFFFEF7, lr;
	s5 =	simm.s32 $0xFFFFFFFF;
	p2 =	slt.u32 s8, $0xFFFFF086  }
0x1c: {  	p1 =	slt.u32 s9, $0xF7A;
	s5 =	simm.s32 @!p2 $0x0  }
0x1d: {  	s5 =	simm.s32 @p1 $0x1;
	p0 =	seq.s32 s7, s2  }
0x1e: {  	s7 =	smul.u32 @!p0 $0xF7A, s2;
	p2 =	seq.s32 @!p0 s5, $0x0  }
0x1f: {  	s9 =	smul.u32 $0xF7A, s1;
	s8 =	simm.s32 @!p0 $0x1BF5;
	p2 =	por !p2, p0  }
0x20: {  	[sflag:s8] =	ssyncset.s32 @!p0 $0xFFFFF086;
	s6 =	sadd.s32 @!p0 s3, s7;
	s7 =	simm.s32 @!p0 $0x108  }
0x21: {  	s3 =	sadd.s32 s3, s9;
	s6 =	sadd.s32 @!p0 $0x88, s6;
	s7 =	simm.s32 @p2 $0x1082  }
0x22: {  	[simem:s7], [sflag:s8] =	dma.local @!p0 [hbm:s6], $0xF7A  }
0x23: {  	s9 =	sor.u32 $0xD0000000, s2;
	s6 =	simm.s32 $0x108;
	_ =	swait.ge @!p0 [sflag:s8], $0x0  }
0x24: {  	s3 =	sadd.s32 $0x88, s3;
	s6 =	simm.s32 @!p1 $0x1082;
	[sflag:s4] =	ssyncset.s32 $0xFFFFF086  }
0x25: {  	[simem:s6], [sflag:s4] =	dma.local [hbm:s3], $0xF7A  }
0x26: {  	[smem:$0x3F94] =	sst s1;
	(tag) =	ssettag s2;
	_ =	strace s9  }
0x27: {  	s1 =	sld [smem:$0x3FA4]  }
0x28: {  	s2 =	sld [smem:$0x3FA5]  }
0x29: {  	s4 =	sld [smem:$0x3FA7]  }
0x2a: {  	p0 =	seq.s32 s5, $0x0;
	s5 =	sld [smem:$0x3FA8]  }
0x2b: {  	s6 =	sld [smem:$0x3FA9]  }
0x2c: {  	s7 =	sld [smem:$0x3FAA]  }
0x2d: {  	s3 =	simm.s32 $0x108;
	s8 =	sld [smem:$0x3FAB]  }
0x2e: {  	s3 =	simm.s32 @!p0 $0x1082;
	s9 =	sld [smem:$0x3FAC]  }
0x2f: {  	lr =	sadd.s32 s0, s3;
	s0 =	sld [smem:$0x3FA3]  }
0x30: {  	s3 =	sld [smem:$0x3FA6]  }
0x31: {  	[smem:$0x3FAF] =	sst s10  }
0x32: {  	s10 =	sld [smem:$0x3FAD];
	_ =	sdelay $0x3  }
0x33: {  	p0 =	seq.s32 s10, $0x1;
	s10 =	sld [smem:$0x3FAF];
	_ =	sdelay $0x3  }
0x34: {  	[smem:$0x3FAF] =	sst s10  }
0x35: {  	s10 =	sld [smem:$0x3FAE];
	_ =	sdelay $0x3  }
0x36: {  	p1 =	seq.s32 s10, $0x1;
	s10 =	sld [smem:$0x3FAF];
	_ =	sdelay $0x3  }
0x37: {  	[smem:$0x3FAF] =	sst s10  }
0x38: {  	s10 =	sld [smem:$0x3FB0]  }
0x39: {  	_ = 	snop;
	(pc) =	sbr.ind lr, $3  }
0x3a: {  	_ = 	snop  }
0x3b: {  	_ = 	snop  }
0x3c: {  	p2 =	seq.s32 s10, $0x1;
	s10 =	sld [smem:$0x3FAF]  }
0x3d: {  	_ =	shalt  }
0x3e: {  	_ =	shalt  }
0x3f: {  	_ =	shalt  }
0x40: {  	_ =	shalt  }
0x41: {  	_ =	shalt  }
0x42: {  	_ =	shalt  }
0x43: {  	_ =	shalt  }
0x44: {  	_ =	shalt  }
0x45: {  	_ =	shalt  }
0x46: {  	_ =	shalt  }
0x47: {  	_ =	shalt  }
0x48: {  	_ =	shalt  }
0x49: {  	_ =	shalt  }
0x4a: {  	_ =	shalt  }
0x4b: {  	_ =	shalt  }
0x4c: {  	_ =	shalt  }
0x4d: {  	_ =	shalt  }
0x4e: {  	_ =	shalt  }
0x4f: {  	_ =	shalt  }
0x50: {  	_ =	shalt  }
0x51: {  	_ =	shalt  }
0x52: {  	_ =	shalt  }
0x53: {  	_ =	shalt  }
0x54: {  	_ =	shalt  }
0x55: {  	_ =	shalt  }
0x56: {  	_ =	shalt  }
0x57: {  	_ =	shalt  }
0x58: {  	_ =	shalt  }
0x59: {  	_ =	shalt  }
0x5a: {  	_ =	shalt  }
0x5b: {  	_ =	shalt  }
0x5c: {  	_ =	shalt  }
0x5d: {  	_ =	shalt  }
0x5e: {  	_ =	shalt  }
0x5f: {  	_ =	shalt  }
0x60: {  	_ =	shalt  }
0x61: {  	_ =	shalt  }
0x62: {  	_ =	shalt  }
0x63: {  	_ =	shalt  }
0x64: {  	_ =	shalt  }
0x65: {  	_ =	shalt  }
0x66: {  	_ =	shalt  }
0x67: {  	_ =	shalt  }
0x68: {  	_ =	shalt  }
0x69: {  	_ =	shalt  }
0x6a: {  	_ =	shalt  }
0x6b: {  	_ =	shalt  }
0x6c: {  	_ =	shalt  }
0x6d: {  	_ =	shalt  }
0x6e: {  	_ =	shalt  }
0x6f: {  	_ =	shalt  }
0x70: {  	_ =	shalt  }
0x71: {  	_ =	shalt  }
0x72: {  	_ =	shalt  }
0x73: {  	_ =	shalt  }
0x74: {  	_ =	shalt  }
0x75: {  	_ =	shalt  }
0x76: {  	_ =	shalt  }
0x77: {  	_ =	shalt  }
0x78: {  	_ =	shalt  }
0x79: {  	_ =	shalt  }
0x7a: {  	_ =	shalt  }
0x7b: {  	_ =	shalt  }
0x7c: {  	_ =	shalt  }
0x7d: {  	_ =	shalt  }
0x7e: {  	_ =	shalt  }
0x7f: {  	_ =	shalt  }
0x80: {  	_ =	shalt  }
0x81: {  	_ =	shalt  }
0x82: {  	_ =	shalt  }
0x83: {  	_ =	shalt  }
0x84: {  	_ =	shalt  }
0x85: {  	_ =	shalt  }
0x86: {  	_ =	shalt  }
0x87: {  	_ =	shalt  }
.Lfunc_end0:
.L_simem_size_0:
called_computation.1_lowered:
.L_overlay_start_0:
0x88: {  	s2 =	sld [smem:$0x3FD9]  }
0x89: {  	s3 =	sld [smem:$0x3FFE];
	_ =	sdelay $0x1  }
0x8a: {  	s1 =	srdreg.scid  }
0x8b: {  	s0 =	sand.u32 $0x1, s1  }
0x8c: {  	s17 =	sshll.u32 s0, $0xA;
	s2 =	sadd.s32 s3, s2  }
0x8d: {  	s2 =	sadd.s32 s2, s17  }
0x8e: {  	[smem:$0x3FBB] =	sst s2  }
0x8f: {  	_ = 	snop  }
0x90: {  	s2 =	sld [smem:$0x3FD0];
	(tm) =	ssettm $0x1  }
0x91: {  	s18 =	sld [smem:$0x3FFB];
	_ =	sdelay $0x3  }
0x92: {  	_ =	strace s18  }
0x93: {  	s3 =	sld [smem:$0x3FFC];
	_ =	sdelay $0x3  }
0x94: {  	_ =	strace s3  }
0x95: {  	s3 =	sld [smem:$0x3FFD];
	_ =	sdelay $0x3  }
0x96: {  	_ =	strace s3  }
0x97: {  	_ =	strace $0x8FFFFFFF  }
0x98: {  	s19 =	sld [smem:$0x3FDB];
	_ =	sdelay $0x1  }
0x99: {  	s4 =	simm.s32 $_scs_section_size  }
0x9a: {  	s5 =	simm.s32 $_size__tile_overlayer_lowered;
	s6 =	simm.s32 $_tile_overlayer_lowered  }
0x9b: {  	s22 =	simm.s32 $0x1BFF;
	s21 =	sshll.u32 s6, $0x1;
	s3 =	sadd.s32 s4, s19  }
0x9c: {  	s7 =	simm.s32 $0x0;
	s20 =	sshll.u32 s5, $0x1;
	s5 =	sadd.s32 s21, s3  }
0x9d: {  	[timem:s7], [sflag:s22] =	dma.local [hbm:s5], s20  }
0x9e: {  	_ =	swait.ge [sflag:s22], s20  }
0x9f: {  	s4 =	ssub.s32 $0x0, s20;
	[sflag:s22] =	ssyncset.done $0x0  }
0xa0: {  	[sflag:s22] =	ssyncadd.s32 s4;
	_ =	sdelay $0x1  }
0xa1: {  	s23 =	simm.s32 $0x1B8B  }
0xa2: {  	_ =	swait.ge [sflag:s23], $0x1  }
0xa3: {  	[sflag:s23] =	ssyncset.done $0x0  }
0xa4: {  	s25 =	simm.s32 $0x1B8E;
	s24 =	sld [smem:$0x3FFE];
	[sflag:s23] =	ssyncadd.s32 $0xFFFFFFFF  }
0xa5: {  	s26 =	simm.s32 $execute0_lowered;
	[smem:$0x3FD2] =	sst s25  }
0xa6: {  	s5 =	sshll.u32 s26, $0x1;
	_ =	strace $0x80000049;
	[dreg:$0x1] =	wrdreg $0xFFFFFFFF  }
0xa7: {  	s28 =	simm.s32 $_size_execute0_lowered;
	s3 =	sadd.s32 s3, s5;
	[dreg:$0x0] =	wrdreg $0x0  }
0xa8: {  	s5 =	sshll.u32 s28, $0x1;
	[dreg:$0x2] =	wrdreg s3  }
0xa9: {  	[dreg:$0x3] =	wrdreg s5  }
0xaa: {  	[dreg:$0x4] =	wrdreg $0xC0  }
0xab: {  	_ =	task [dreg:s7], $0x5FFFF  }
0xac: {  	[dreg:$0x1] =	wrdreg $0xFFFFFFFF  }
0xad: {  	[dreg:$0x0] =	wrdreg $0x60  }
0xae: {  	[dreg:$0x2] =	wrdreg s24  }
0xaf: {  	[dreg:$0x3] =	wrdreg s2  }
0xb0: {  	[dreg:$0x4] =	wrdreg $0x9  }
0xb1: {  	_ =	task.clear_ibuf [dreg:s7], $0x5FFFF;
	_ =	strace $0x90000049  }
0xb2: {  	s29 =	simm.s32 $0x9;
	_ =	strace $0x8000004B  }
0xb3: {  	_ =	swait.ge [sflag:s29], $0x1  }
0xb4: {  	[sflag:s29] =	ssyncadd.s32 $0xFFFFFFFF  }
0xb5: {  	_ =	strace $0x9000004B  }
0xb6: {  	_ =	sfence  }
0xb7: {  	s30 =	sld [smem:$0x0];
	_ =	sdelay $0x2  }
0xb8: {  	s31 =	sshll.u32 s1, $0xD;
	s1 =	sshrl.u32 s1, $0x2  }
0xb9: {  	s3 =	sand.u32 $0x4000, s31;
	s1 =	sadd.s32 s1, s30  }
0xba: {  	s0 =	sor.u32 s3, s0;
	s1 =	sshll.u32 s1, $0x11  }
0xbb: {  	s0 =	sor.u32 s1, s0  }
0xbc: {  	s0 =	sadd.s32 $0x8F2B, s0  }
0xbd: {  	[sflag:s0] =	ssyncadd.remote.s32 $0x1  }
0xbe: {  	_ =	sfence.sel $0xFFFF  }
0xbf: {  	[dreg:$0x0] =	wrdreg $0xFFFFFFFF;
	(pc) =	sbr.abs _section_cstart, $3  }
0xc0: {  	[dreg:$0x1] =	wrdreg $0xFFFFFFFF  }
0xc1: {  	_ =	task.clear_ibuf [dreg:s7], $0x2FFFF;
	_ =	strace $0x9FFFFFFF  }
0xc2: {  	(tm) =	ssettm $0x7FFFFFFF  }
0xc3: {  	_ =	shalt  }
tec
execute0_lowered:
.L_overlay_start_1:
0x0: {  	(tag) =	ssettag $0x1  }
0x1: {  	s2 =	srdreg.scid;
	s1 =	rddreg [dreg:$0x0]  }
0x2: {  	s3 =	rddreg [dreg:$0x1];
	s4 =	sand.u32 $0x1, s2;
	s2 =	simm.s32 $0x0  }
0x3: {  	s0 =	stileid.u32;
	s25 =	simm.s32 $0x880;
	[smem:$0x7FF] =	sst s2  }
0x4: {  	s26 =	simm.s32 $0x1080;
	_ =	strace $0x8000004A;
	[dreg:$0x5] =	wrdreg s25  }
0x5: {  	s5 =	sshll.u32 s0, $0x5;
	s0 =	simm.s32 $0x1880;
	[dreg:$0x6] =	wrdreg s26  }
0x6: {  	s7 =	simm.s32 $0x3080;
	[dreg:$0x7] =	wrdreg s0  }
0x7: {  	s8 =	simm.s32 $0x3880;
	[dreg:$0xa] =	wrdreg s7  }
0x8: {  	s9 =	simm.s32 $0x4080;
	[dreg:$0xb] =	wrdreg s8  }
0x9: {  	s10 =	simm.s32 $0x4880;
	[dreg:$0xc] =	wrdreg s9  }
0xa: {  	s11 =	simm.s32 $0x5080;
	[dreg:$0xd] =	wrdreg s10  }
0xb: {  	s12 =	simm.s32 $0x5880;
	[dreg:$0xe] =	wrdreg s11  }
0xc: {  	s13 =	simm.s32 $0x6080;
	[dreg:$0xf] =	wrdreg s12  }
0xd: {  	s14 =	simm.s32 $0x6880;
	[dreg:$0x10] =	wrdreg s13  }
0xe: {  	s15 =	simm.s32 $0x7080;
	[dreg:$0x11] =	wrdreg s14  }
0xf: {  	s16 =	simm.s32 $0x7880;
	s17 =	simm.s32 $0x8080;
	[dreg:$0x12] =	wrdreg s15  }
0x10: {  	s18 =	simm.s32 $0x8880;
	s19 =	simm.s32 $0x9080;
	[dreg:$0x13] =	wrdreg s16  }
0x11: {  	s21 =	simm.s32 $0x9880;
	s22 =	simm.s32 $0xA080;
	[dreg:$0x14] =	wrdreg s17  }
0x12: {  	s23 =	simm.s32 $0xB080;
	s24 =	simm.s32 $0xB880;
	[dreg:$0x15] =	wrdreg s18  }
0x13: {  	s28 =	simm.s32 $0x16080;
	s29 =	simm.s32 $0x16880;
	[dreg:$0x16] =	wrdreg s19  }
0x14: {  	s30 =	simm.s32 $0x17080;
	s31 =	simm.s32 $0x17880;
	[dreg:$0x17] =	wrdreg s21  }
0x15: {  	s6 =	sshll.u32 s4, $0x4;
	s4 =	ssub.s32 $0x2, s4;
	[dreg:$0x18] =	wrdreg s22  }
0x16: {  	s5 =	sor.u32 s6, s5;
	s20 =	sshrl.u32 s4, $0x1;
	[dreg:$0x1a] =	wrdreg s23  }
0x17: {  	s7 =	simm.s32 $0xA880;
	[dreg:$0x1b] =	wrdreg s24;
	s25 =	simm.s32 $0xC080  }
0x18: {  	s8 =	simm.s32 $0x80;
	s26 =	simm.s32 $0xC880;
	s10 =	simm.s32 $0xD880  }
0x19: {  	s11 =	simm.s32 $0xE080;
	s12 =	simm.s32 $0xE880;
	s13 =	simm.s32 $0xF080  }
0x1a: {  	s14 =	simm.s32 $0xF880;
	s15 =	simm.s32 $0x10080;
	s16 =	simm.s32 $0x10880  }
0x1b: {  	s17 =	simm.s32 $0x11080;
	s18 =	simm.s32 $0x11880;
	s19 =	simm.s32 $0x12080  }
0x1c: {  	s21 =	simm.s32 $0x13080;
	s22 =	simm.s32 $0x13880;
	[dreg:$0x19] =	wrdreg s7  }
0x1d: {  	s6 =	sadd.s32 s5, s1;
	s5 =	smul.u32 $0x300, s5;
	[dreg:$0x1c] =	wrdreg s25  }
0x1e: {  	s23 =	simm.s32 $0x14080;
	[dreg:$0x1d] =	wrdreg s26;
	s6 =	sadd.s32 $0xE00, s6  }
0x1f: {  	s24 =	simm.s32 $0x14880;
	[dreg:$0x3] =	wrdreg s6;
	s3 =	sadd.s32 s3, s5  }
0x20: {  	s7 =	simm.s32 $0x2;
	s5 =	simm.s32 $0x2080;
	[dreg:$0x4] =	wrdreg s3  }
0x21: {  	s25 =	simm.s32 $0x15080;
	s6 =	simm.s32 $0x2880;
	[dreg:$0x8] =	wrdreg s5  }
0x22: {  	v2 =	vlaneseq.u32;
	s26 =	simm.s32 $0x15880;
	[dreg:$0x9] =	wrdreg s6;
	s3 =	sadd.s32 $0xD3400, s1  }
0x23: {  	vm0 =	vmmov $0xffff;
	v1 =	vshrl.u32 v2, $0x3;
	s6 =	ssub.s32 s4, s20;
	s4 =	sadd.s32 $0xD3500, s1;
	s5 =	sadd.s32 $0xD3600, s1  }
0x24: {  	v0 =	vand.u32 $0x7, v2;
	v2 =	vor.u32 $0x8, v2;
	v1 =	vmul.u32 $0x8, v1;
	s20 =	simm.s32 $0x12880;
	s1 =	simm.s32 $0x1;
	s6 =	smax.u32 s6, $0x1  }
.LBB2_1:
0x25: {  	s0 =	rddreg [dreg:$0x3]  }
0x26: {  	[tilespmem:s2], [sflag:$0x2] =	stream.linear.gather [hbm4b:s0+s2], $0x80, $0x38;
	[tilespmem:$0x18080] =	vst v63  }
0x27: {  	_ =	swait.ge [sflag:s7], $0x80  }
0x28: {  	[sflag:s7] =	ssyncset.done $0x0  }
0x29: {  	[sflag:s7] =	ssyncadd.s32 $0xFFFFFF80  }
0x2a: {  	v3 =	vld [tilespmem:$0x0];
	_ =	sdelay $0x4  }
0x2b: {  	v4 =	vshrl.u32 v3, $0x3  }
0x2c: {  	v4 =	vmul.u32 $0x30, v4  }
0x2d: {  	v3 =	vand.u32 $0x7, v3  }
0x2e: {  	v3 =	vor.u32 v3, v4  }
0x2f: {  	v4 =	vperm.xlane v3, v0;
	_ =	sdelay $0x1  }
0x30: {  	v4 =	vadd.s32 v1, v4;
	_ =	sdelay $0x3  }
0x31: {  	v3 =	vperm.xlane v3, v2  }
0x32: {  	[tilespmem:s8], [sflag:$0x1] =	stream.indirect_vreg.gather [hbm4b:s3+s2], $0x80, v4, vm0, $0xb8;
	[tilespmem:$0x18080] =	vst v63  }
0x33: {  	s0 =	rddreg [dreg:$0x5];
	v3 =	vadd.s32 v1, v3  }
0x34: {  	[tilespmem:s0], [sflag:$0x1] =	stream.indirect_vreg.gather [hbm4b:s4+s2], $0x80, v4, vm0, $0xb8;
	[tilespmem:$0x18080] =	vst v63  }
0x35: {  	s9 =	rddreg [dreg:$0x6]  }
0x36: {  	[tilespmem:s9], [sflag:$0x1] =	stream.indirect_vreg.gather [hbm4b:s5+s2], $0x80, v4, vm0, $0xb8;
	[tilespmem:$0x18080] =	vst v63  }
0x37: {  	s0 =	rddreg [dreg:$0x7]  }
0x38: {  	[tilespmem:s0], [sflag:$0x1] =	stream.indirect_vreg.gather [hbm4b:s3+s2], $0x80, v3, vm0, $0xb8;
	[tilespmem:$0x18080] =	vst v63  }
0x39: {  	s9 =	rddreg [dreg:$0x8]  }
0x3a: {  	[tilespmem:s9], [sflag:$0x1] =	stream.indirect_vreg.gather [hbm4b:s4+s2], $0x80, v3, vm0, $0xb8;
	[tilespmem:$0x18080] =	vst v63  }
0x3b: {  	s0 =	rddreg [dreg:$0x9]  }
0x3c: {  	[tilespmem:s0], [sflag:$0x1] =	stream.indirect_vreg.gather [hbm4b:s5+s2], $0x80, v3, vm0, $0xb8;
	[tilespmem:$0x18080] =	vst v63  }
0x3d: {  	v3 =	vld [tilespmem:$0x10];
	_ =	sdelay $0x4  }
0x3e: {  	v57 =	vshrl.u32 v3, $0x3  }
0x3f: {  	v4 =	vmul.u32 $0x30, v57  }
0x40: {  	v3 =	vand.u32 $0x7, v3  }
0x41: {  	v3 =	vor.u32 v3, v4  }
0x42: {  	v4 =	vperm.xlane v3, v0;
	_ =	sdelay $0x1  }
0x43: {  	v4 =	vadd.s32 v1, v4;
	_ =	sdelay $0x3  }
0x44: {  	s0 =	rddreg [dreg:$0xa];
	v3 =	vperm.xlane v3, v2  }
0x45: {  	[tilespmem:s0], [sflag:$0x1] =	stream.indirect_vreg.gather [hbm4b:s3+s2], $0x80, v4, vm0, $0xb8;
	[tilespmem:$0x18080] =	vst v63  }
0x46: {  	s9 =	rddreg [dreg:$0xb];
	v3 =	vadd.s32 v1, v3  }
0x47: {  	[tilespmem:s9], [sflag:$0x1] =	stream.indirect_vreg.gather [hbm4b:s4+s2], $0x80, v4, vm0, $0xb8;
	[tilespmem:$0x18080] =	vst v63  }
0x48: {  	s0 =	rddreg [dreg:$0xc]  }
0x49: {  	[tilespmem:s0], [sflag:$0x1] =	stream.indirect_vreg.gather [hbm4b:s5+s2], $0x80, v4, vm0, $0xb8;
	[tilespmem:$0x18080] =	vst v63  }
0x4a: {  	s9 =	rddreg [dreg:$0xd]  }
0x4b: {  	[tilespmem:s9], [sflag:$0x1] =	stream.indirect_vreg.gather [hbm4b:s3+s2], $0x80, v3, vm0, $0xb8;
	[tilespmem:$0x18080] =	vst v63  }
0x4c: {  	s0 =	rddreg [dreg:$0xe]  }
0x4d: {  	[tilespmem:s0], [sflag:$0x1] =	stream.indirect_vreg.gather [hbm4b:s4+s2], $0x80, v3, vm0, $0xb8;
	[tilespmem:$0x18080] =	vst v63  }
0x4e: {  	s9 =	rddreg [dreg:$0xf]  }
0x4f: {  	[tilespmem:s9], [sflag:$0x1] =	stream.indirect_vreg.gather [hbm4b:s5+s2], $0x80, v3, vm0, $0xb8;
	[tilespmem:$0x18080] =	vst v63  }
0x50: {  	v3 =	vld [tilespmem:$0x20];
	_ =	sdelay $0x4  }
0x51: {  	v58 =	vshrl.u32 v3, $0x3  }
0x52: {  	v4 =	vmul.u32 $0x30, v58  }
0x53: {  	v3 =	vand.u32 $0x7, v3  }
0x54: {  	v3 =	vor.u32 v3, v4  }
0x55: {  	v4 =	vperm.xlane v3, v0;
	_ =	sdelay $0x1  }
0x56: {  	v4 =	vadd.s32 v1, v4;
	_ =	sdelay $0x3  }
0x57: {  	s0 =	rddreg [dreg:$0x10];
	v3 =	vperm.xlane v3, v2  }
0x58: {  	[tilespmem:s0], [sflag:$0x1] =	stream.indirect_vreg.gather [hbm4b:s3+s2], $0x80, v4, vm0, $0xb8;
	[tilespmem:$0x18080] =	vst v63  }
0x59: {  	s9 =	rddreg [dreg:$0x11];
	v3 =	vadd.s32 v1, v3  }
0x5a: {  	[tilespmem:s9], [sflag:$0x1] =	stream.indirect_vreg.gather [hbm4b:s4+s2], $0x80, v4, vm0, $0xb8;
	[tilespmem:$0x18080] =	vst v63  }
0x5b: {  	s0 =	rddreg [dreg:$0x12]  }
0x5c: {  	[tilespmem:s0], [sflag:$0x1] =	stream.indirect_vreg.gather [hbm4b:s5+s2], $0x80, v4, vm0, $0xb8;
	[tilespmem:$0x18080] =	vst v63  }
0x5d: {  	s9 =	rddreg [dreg:$0x13]  }
0x5e: {  	[tilespmem:s9], [sflag:$0x1] =	stream.indirect_vreg.gather [hbm4b:s3+s2], $0x80, v3, vm0, $0xb8;
	[tilespmem:$0x18080] =	vst v63  }
0x5f: {  	s0 =	rddreg [dreg:$0x14]  }
0x60: {  	[tilespmem:s0], [sflag:$0x1] =	stream.indirect_vreg.gather [hbm4b:s4+s2], $0x80, v3, vm0, $0xb8;
	[tilespmem:$0x18080] =	vst v63  }
0x61: {  	s9 =	rddreg [dreg:$0x15]  }
0x62: {  	[tilespmem:s9], [sflag:$0x1] =	stream.indirect_vreg.gather [hbm4b:s5+s2], $0x80, v3, vm0, $0xb8;
	[tilespmem:$0x18080] =	vst v63  }
0x63: {  	v3 =	vld [tilespmem:$0x30];
	_ =	sdelay $0x4  }
0x64: {  	v59 =	vshrl.u32 v3, $0x3  }
0x65: {  	v4 =	vmul.u32 $0x30, v59  }
0x66: {  	v3 =	vand.u32 $0x7, v3  }
0x67: {  	v3 =	vor.u32 v3, v4  }
0x68: {  	v4 =	vperm.xlane v3, v0;
	_ =	sdelay $0x1  }
0x69: {  	v4 =	vadd.s32 v1, v4;
	_ =	sdelay $0x3  }
0x6a: {  	s0 =	rddreg [dreg:$0x16];
	v3 =	vperm.xlane v3, v2  }
0x6b: {  	[tilespmem:s0], [sflag:$0x1] =	stream.indirect_vreg.gather [hbm4b:s3+s2], $0x80, v4, vm0, $0xb8;
	[tilespmem:$0x18080] =	vst v63  }
0x6c: {  	s9 =	rddreg [dreg:$0x17];
	v3 =	vadd.s32 v1, v3  }
0x6d: {  	[tilespmem:s9], [sflag:$0x1] =	stream.indirect_vreg.gather [hbm4b:s4+s2], $0x80, v4, vm0, $0xb8;
	[tilespmem:$0x18080] =	vst v63  }
0x6e: {  	s0 =	rddreg [dreg:$0x18]  }
0x6f: {  	[tilespmem:s0], [sflag:$0x1] =	stream.indirect_vreg.gather [hbm4b:s5+s2], $0x80, v4, vm0, $0xb8;
	[tilespmem:$0x18080] =	vst v63  }
0x70: {  	s9 =	rddreg [dreg:$0x19]  }
0x71: {  	[tilespmem:s9], [sflag:$0x1] =	stream.indirect_vreg.gather [hbm4b:s3+s2], $0x80, v3, vm0, $0xb8;
	[tilespmem:$0x18080] =	vst v63  }
0x72: {  	s0 =	rddreg [dreg:$0x1a]  }
0x73: {  	[tilespmem:s0], [sflag:$0x1] =	stream.indirect_vreg.gather [hbm4b:s4+s2], $0x80, v3, vm0, $0xb8;
	[tilespmem:$0x18080] =	vst v63  }
0x74: {  	s9 =	rddreg [dreg:$0x1b]  }
0x75: {  	[tilespmem:s9], [sflag:$0x1] =	stream.indirect_vreg.gather [hbm4b:s5+s2], $0x80, v3, vm0, $0xb8;
	[tilespmem:$0x18080] =	vst v63  }
0x76: {  	v3 =	vld [tilespmem:$0x40];
	_ =	sdelay $0x4  }
0x77: {  	v60 =	vshrl.u32 v3, $0x3  }
0x78: {  	v4 =	vmul.u32 $0x30, v60  }
0x79: {  	v3 =	vand.u32 $0x7, v3  }
0x7a: {  	v3 =	vor.u32 v3, v4  }
0x7b: {  	v4 =	vperm.xlane v3, v0;
	_ =	sdelay $0x1  }
0x7c: {  	v4 =	vadd.s32 v1, v4;
	_ =	sdelay $0x3  }
0x7d: {  	s0 =	rddreg [dreg:$0x1c];
	v3 =	vperm.xlane v3, v2  }
0x7e: {  	[tilespmem:s0], [sflag:$0x1] =	stream.indirect_vreg.gather [hbm4b:s3+s2], $0x80, v4, vm0, $0xb8;
	[tilespmem:$0x18080] =	vst v63  }
0x7f: {  	s9 =	rddreg [dreg:$0x1d];
	v3 =	vadd.s32 v1, v3  }
0x80: {  	[tilespmem:s9], [sflag:$0x1] =	stream.indirect_vreg.gather [hbm4b:s4+s2], $0x80, v4, vm0, $0xb8;
	[tilespmem:$0x18080] =	vst v63  }
0x81: {  	s9 =	simm.s32 $0xD080  }
0x82: {  	[tilespmem:s9], [sflag:$0x1] =	stream.indirect_vreg.gather [hbm4b:s5+s2], $0x80, v4, vm0, $0xb8;
	[tilespmem:$0x18080] =	vst v63  }
0x83: {  	_ = 	snop  }
0x84: {  	[tilespmem:s10], [sflag:$0x1] =	stream.indirect_vreg.gather [hbm4b:s3+s2], $0x80, v3, vm0, $0xb8;
	[tilespmem:$0x18080] =	vst v63  }
0x85: {  	_ = 	snop  }
0x86: {  	[tilespmem:s11], [sflag:$0x1] =	stream.indirect_vreg.gather [hbm4b:s4+s2], $0x80, v3, vm0, $0xb8;
	[tilespmem:$0x18080] =	vst v63  }
0x87: {  	_ = 	snop  }
0x88: {  	[tilespmem:s12], [sflag:$0x1] =	stream.indirect_vreg.gather [hbm4b:s5+s2], $0x80, v3, vm0, $0xb8;
	[tilespmem:$0x18080] =	vst v63  }
0x89: {  	v3 =	vld [tilespmem:$0x50];
	_ =	sdelay $0x4  }
0x8a: {  	v61 =	vshrl.u32 v3, $0x3  }
0x8b: {  	v4 =	vmul.u32 $0x30, v61  }
0x8c: {  	v3 =	vand.u32 $0x7, v3  }
0x8d: {  	v3 =	vor.u32 v3, v4  }
0x8e: {  	v4 =	vperm.xlane v3, v0;
	_ =	sdelay $0x1  }
0x8f: {  	v4 =	vadd.s32 v1, v4;
	_ =	sdelay $0x3  }
0x90: {  	v3 =	vperm.xlane v3, v2  }
0x91: {  	[tilespmem:s13], [sflag:$0x1] =	stream.indirect_vreg.gather [hbm4b:s3+s2], $0x80, v4, vm0, $0xb8;
	[tilespmem:$0x18080] =	vst v63  }
0x92: {  	v3 =	vadd.s32 v1, v3  }
0x93: {  	[tilespmem:s14], [sflag:$0x1] =	stream.indirect_vreg.gather [hbm4b:s4+s2], $0x80, v4, vm0, $0xb8;
	[tilespmem:$0x18080] =	vst v63  }
0x94: {  	_ = 	snop  }
0x95: {  	[tilespmem:s15], [sflag:$0x1] =	stream.indirect_vreg.gather [hbm4b:s5+s2], $0x80, v4, vm0, $0xb8;
	[tilespmem:$0x18080] =	vst v63  }
0x96: {  	_ = 	snop  }
0x97: {  	[tilespmem:s16], [sflag:$0x1] =	stream.indirect_vreg.gather [hbm4b:s3+s2], $0x80, v3, vm0, $0xb8;
	[tilespmem:$0x18080] =	vst v63  }
0x98: {  	_ = 	snop  }
0x99: {  	[tilespmem:s17], [sflag:$0x1] =	stream.indirect_vreg.gather [hbm4b:s4+s2], $0x80, v3, vm0, $0xb8;
	[tilespmem:$0x18080] =	vst v63  }
0x9a: {  	_ = 	snop  }
0x9b: {  	[tilespmem:s18], [sflag:$0x1] =	stream.indirect_vreg.gather [hbm4b:s5+s2], $0x80, v3, vm0, $0xb8;
	[tilespmem:$0x18080] =	vst v63  }
0x9c: {  	v3 =	vld [tilespmem:$0x60];
	_ =	sdelay $0x4  }
0x9d: {  	v62 =	vshrl.u32 v3, $0x3  }
0x9e: {  	v4 =	vmul.u32 $0x30, v62  }
0x9f: {  	v3 =	vand.u32 $0x7, v3  }
0xa0: {  	v3 =	vor.u32 v3, v4  }
0xa1: {  	v4 =	vperm.xlane v3, v0;
	_ =	sdelay $0x1  }
0xa2: {  	v4 =	vadd.s32 v1, v4;
	_ =	sdelay $0x3  }
0xa3: {  	v3 =	vperm.xlane v3, v2  }
0xa4: {  	[tilespmem:s19], [sflag:$0x1] =	stream.indirect_vreg.gather [hbm4b:s3+s2], $0x80, v4, vm0, $0xb8;
	[tilespmem:$0x18080] =	vst v63  }
0xa5: {  	v3 =	vadd.s32 v1, v3  }
0xa6: {  	[tilespmem:s20], [sflag:$0x1] =	stream.indirect_vreg.gather [hbm4b:s4+s2], $0x80, v4, vm0, $0xb8;
	[tilespmem:$0x18080] =	vst v63  }
0xa7: {  	_ = 	snop  }
0xa8: {  	[tilespmem:s21], [sflag:$0x1] =	stream.indirect_vreg.gather [hbm4b:s5+s2], $0x80, v4, vm0, $0xb8;
	[tilespmem:$0x18080] =	vst v63  }
0xa9: {  	_ = 	snop  }
0xaa: {  	[tilespmem:s22], [sflag:$0x1] =	stream.indirect_vreg.gather [hbm4b:s3+s2], $0x80, v3, vm0, $0xb8;
	[tilespmem:$0x18080] =	vst v63  }
0xab: {  	_ = 	snop  }
0xac: {  	[tilespmem:s23], [sflag:$0x1] =	stream.indirect_vreg.gather [hbm4b:s4+s2], $0x80, v3, vm0, $0xb8;
	[tilespmem:$0x18080] =	vst v63  }
0xad: {  	_ = 	snop  }
0xae: {  	[tilespmem:s24], [sflag:$0x1] =	stream.indirect_vreg.gather [hbm4b:s5+s2], $0x80, v3, vm0, $0xb8;
	[tilespmem:$0x18080] =	vst v63  }
0xaf: {  	v3 =	vld [tilespmem:$0x70];
	_ =	sdelay $0x4  }
0xb0: {  	v63 =	vshrl.u32 v3, $0x3  }
0xb1: {  	v4 =	vmul.u32 $0x30, v63  }
0xb2: {  	v3 =	vand.u32 $0x7, v3  }
0xb3: {  	v3 =	vor.u32 v3, v4  }
0xb4: {  	v4 =	vperm.xlane v3, v0;
	_ =	sdelay $0x1  }
0xb5: {  	v4 =	vadd.s32 v1, v4;
	_ =	sdelay $0x3  }
0xb6: {  	v3 =	vperm.xlane v3, v2  }
0xb7: {  	[tilespmem:s25], [sflag:$0x1] =	stream.indirect_vreg.gather [hbm4b:s3+s2], $0x80, v4, vm0, $0xb8;
	[tilespmem:$0x18080] =	vst v63  }
0xb8: {  	v3 =	vadd.s32 v1, v3  }
0xb9: {  	[tilespmem:s26], [sflag:$0x1] =	stream.indirect_vreg.gather [hbm4b:s4+s2], $0x80, v4, vm0, $0xb8;
	[tilespmem:$0x18080] =	vst v63  }
0xba: {  	_ = 	snop  }
0xbb: {  	[tilespmem:s28], [sflag:$0x1] =	stream.indirect_vreg.gather [hbm4b:s5+s2], $0x80, v4, vm0, $0xb8;
	[tilespmem:$0x18080] =	vst v63  }
0xbc: {  	_ = 	snop  }
0xbd: {  	[tilespmem:s29], [sflag:$0x1] =	stream.indirect_vreg.gather [hbm4b:s3+s2], $0x80, v3, vm0, $0xb8;
	[tilespmem:$0x18080] =	vst v63  }
0xbe: {  	_ = 	snop  }
0xbf: {  	[tilespmem:s30], [sflag:$0x1] =	stream.indirect_vreg.gather [hbm4b:s4+s2], $0x80, v3, vm0, $0xb8;
	[tilespmem:$0x18080] =	vst v63  }
0xc0: {  	_ = 	snop  }
0xc1: {  	[tilespmem:s31], [sflag:$0x1] =	stream.indirect_vreg.gather [hbm4b:s5+s2], $0x80, v3, vm0, $0xb8;
	[tilespmem:$0x18080] =	vst v63  }
0xc2: {  	_ =	swait.ge [sflag:s1], $0x18000  }
0xc3: {  	p0 =	sne.s32 s6, $0x1;
	[sflag:s1] =	ssyncset.done $0x0  }
.Ltmp0:
0xc4: {  	s9 =	rddreg [dreg:$0x4];
	[sflag:s1] =	ssyncadd.s32 $0xFFFE8000;
	(pc) =	sbr.rel @p0 .LBB2_1-.Ltmp0, $4  }
0xc5: {  	[hbm4b:s9+s2] =	stream.linear.scatter [tilespmem:s8], [sflag:$0x2], $0x18000, $0x38;
	[tilespmem:$0x18080] =	vst v63  }
0xc6: {  	_ =	swait.ge [sflag:s7], $0x18000  }
0xc7: {  	[sflag:s7] =	ssyncset.done $0x0  }
0xc8: {  	s6 =	sadd.s32 $0xFFFFFFFF, s6;
	[sflag:s7] =	ssyncadd.s32 $0xFFFE8000  }
0xc9: {  	_ =	sfence.sel $0x180000  }
0xca: {  	[bflag:$0x0] =	sbarrier.arrive $0xFFFF  }
0xcb: {  	_ =	strace $0x9000004A  }
0xcc: {  	s0 =	stileid.u32;
	[bflag:$0x2] =	sbarrier.arrive $0xFFFF  }
0xcd: {  	p0 =	sne.s32 s0, $0x0;
	s0 =	rddreg [dreg:$0x2]  }
0xce: {  	s0 =	sadd.s32 @!p0 $0x100000, s0  }
0xcf: {  	[sflag:s0] =	ssyncadd.tile.s32 @!p0 $0x1;
	_ =	shalt  }
.Lfunc_end2:
_tile_overlayer_lowered:
.L_overlay_start_2:
0xd0: {  	(tag) =	ssettag $0x2  }
0xd1: {  	s0 =	rddreg [dreg:$0x0];
	s2 =	stileid.u32  }
0xd2: {  	s1 =	rddreg [dreg:$0x1];
	p0 =	sne.s32 s2, $0x0  }
0xd3: {  	s3 =	rddreg [dreg:$0x2];
	[bflag:$0x3] =	sbarrier.arrive $0xFFFF;
	s2 =	simm.s32 @!p0 $0x1C02  }
0xd4: {  	[timem:s3], [sflag:s2] =	dma.local @!p0 [hbm:s0], s1  }
0xd5: {  	s0 =	simm.s32 @!p0 $0x2  }
0xd6: {  	_ =	swait.ge @!p0 [sflag:s0], s1  }
0xd7: {  	s1 =	ssub.s32 @!p0 $0x0, s1;
	[sflag:s0] =	ssyncset.done @!p0 $0x0  }
0xd8: {  	[sflag:s0] =	ssyncadd.s32 @!p0 s1  }
0xd9: {  	[bflag:$0x3] =	sbarrier.arrive $0xFFFF  }
0xda: {  	_ =	shalt  }

</sc_bundles>
